<compile_context>
chip_gen: v7x
topology: tpu7x:2x2x1
jax: 0.10.2.dev20260603
libtpu: 0.0.44.dev20260713+nightly
codegen_flags: <defaults>
</compile_context>

<pallas_src>
import functools

import jax
import jax.numpy as jnp
from jax import lax
from jax.experimental import pallas as pl
from jax.experimental.pallas import tpu as pltpu
from jax.experimental.pallas import tpu_sc as plsc

_CH = 40
_NB = 5


def _node_matmul_kernel(x_ref, wst_ref, wdt_ref, b_ref, ys_ref, yd_ref):
    xv = x_ref[...]
    ys_ref[...] = jnp.dot(xv, wst_ref[...], preferred_element_type=jnp.float32)
    yd_ref[...] = (
        jnp.dot(xv, wdt_ref[...], preferred_element_type=jnp.float32) + b_ref[...]
    )


def _edge_gather_kernel(
    nc,
    nw,
    ys_hbm,
    yd_hbm,
    src_hbm,
    dst_hbm,
    out_hbm,
    src_all,
    dst_all,
    rows,
    ys_sp,
    sem_r,
):
    sid = lax.axis_index("s")
    wid = sid * nc + lax.axis_index("c")
    per_w = out_hbm.shape[0] // nw
    base = wid * per_w
    n_chunks = per_w // _CH
    n_outer = n_chunks // _NB

    n_nodes = ys_hbm.shape[0]
    rows_per_tile = n_nodes // 10

    @pl.when(sid < 10)
    def _():
        pltpu.sync_copy(
            ys_hbm.at[pl.ds(sid * rows_per_tile, rows_per_tile)],
            ys_sp.at[pl.ds(sid * rows_per_tile, rows_per_tile)],
        )

    pltpu.sync_copy(src_hbm.at[pl.ds(base, per_w)], src_all)
    pltpu.sync_copy(dst_hbm.at[pl.ds(base, per_w)], dst_all)
    plsc.subcore_barrier()

    def outer(g, carry):
        descs = [None] * _NB
        for b in range(_NB):
            off = (g * _NB + b) * _CH

            @pl.when(g > 0)
            def _():
                pltpu.make_async_copy(
                    out_hbm.at[pl.ds(base + off, _CH)], rows.at[b], sem_r.at[b]
                ).wait()

            descs[b] = pltpu.async_copy(
                ys_sp.at[src_all.at[pl.ds(off, _CH)]], rows.at[b], sem_r.at[b]
            )
        for b in range(_NB):
            off = (g * _NB + b) * _CH
            descs[b].wait()
            descs[b] = pltpu.async_copy(
                yd_hbm.at[dst_all.at[pl.ds(off, _CH)]],
                rows.at[b],
                sem_r.at[b],
                add=True,
            )
        for b in range(_NB):
            off = (g * _NB + b) * _CH
            descs[b].wait()
            pltpu.async_copy(rows.at[b], out_hbm.at[pl.ds(base + off, _CH)], sem_r.at[b])
        return carry

    lax.fori_loop(0, n_outer, outer, 0)
    for b in range(_NB):
        pltpu.make_async_copy(
            out_hbm.at[pl.ds(base, _CH)], rows.at[b], sem_r.at[b]
        ).wait()


def kernel(x, edge_index, W, b):
    n_nodes, d_in = x.shape
    d_out = W.shape[0]
    n_edges = edge_index.shape[1]

    wst = W[:, :d_in].T
    wdt = W[:, d_in:].T
    ys, yd = pl.pallas_call(
        _node_matmul_kernel,
        out_shape=[
            jax.ShapeDtypeStruct((n_nodes, d_out), jnp.float32),
            jax.ShapeDtypeStruct((n_nodes, d_out), jnp.float32),
        ],
    )(x, wst, wdt, b.reshape(1, d_out))

    src = edge_index[0].astype(jnp.int32)
    dst = edge_index[1].astype(jnp.int32)

    mesh = plsc.VectorSubcoreMesh(core_axis_name="c", subcore_axis_name="s")
    nw = mesh.num_cores * mesh.num_subcores
    out = pl.kernel(
        functools.partial(_edge_gather_kernel, mesh.num_cores, nw),
        out_type=jax.ShapeDtypeStruct((n_edges, d_out), jnp.float32),
        mesh=mesh,
        scratch_types=[
            pltpu.VMEM((n_edges // nw,), jnp.int32),
            pltpu.VMEM((n_edges // nw,), jnp.int32),
            pltpu.VMEM((_NB, _CH, d_out), jnp.float32),
            pltpu.VMEM_SHARED((n_nodes, d_out), jnp.float32),
            pltpu.SemaphoreType.DMA((_NB,)),
        ],
    )(ys, yd, src, dst)
    return out

# --- scband reference (transcript-rebuilt; emitter-appended) ---
"""Pipeline reference for scband-edge-update-71365176590744 (READ-ONLY COPY).

The authoritative reference and input builder live on the scoring server;
editing this copy changes nothing except your own understanding.
"""

import jax, jax.numpy as jnp
import numpy as np

N_NODES = 10000
N_EDGES = 320000
D_IN = 128
D_OUT = 128


def setup_inputs(seed: int = 0) -> dict:
    key = jax.random.key(seed)
    k1, k2, k3, k4 = jax.random.split(key, 4)
    x = jax.random.normal(k1, (N_NODES, D_IN), dtype=jnp.float32)
    edge_index = jax.random.randint(k2, (2, N_EDGES), 0, N_NODES, dtype=jnp.int64)
    # nn.Linear(in_feats*2, out_feats): weight [out, 2*in], bias [out]
    bound = 1.0 / np.sqrt(2 * D_IN)
    W = jax.random.uniform(k3, (D_OUT, 2 * D_IN), minval=-bound, maxval=bound, dtype=jnp.float32)
    b = jax.random.uniform(k4, (D_OUT,), minval=-bound, maxval=bound, dtype=jnp.float32)
    return {"x": x, "edge_index": edge_index, "W": W, "b": b}


def reference(x, edge_index, W, b):
    # DGL edge UDF: edges.src['h'] and edges.dst['h'] are gathers of node
    # features by source / destination node ids of each edge.
    src_h = jnp.take(x, edge_index[0], axis=0)  # [E, D_IN]
    dst_h = jnp.take(x, edge_index[1], axis=0)  # [E, D_IN]
    h = jnp.concatenate([src_h, dst_h], axis=1)  # [E, 2*D_IN]
    out = h @ W.T + b  # [E, D_OUT]
    return out

if __name__ == "__main__":
    import jax
    _d = setup_inputs()
    print(jax.jit(kernel)(*tuple(_d.values())))

</pallas_src>

<mosaic_0001>
#map = affine_map<(d0, d1) -> (0, 0)>
#map1 = affine_map<(d0, d1) -> (0)>
module attributes {stable_mosaic.version = 14 : i64} {
  func.func @_edge_gather_kernel(%arg0: i32, %arg1: i32, %arg2: memref<10000x128xf32, #tpu.memory_space<hbm>>, %arg3: memref<10000x128xf32, #tpu.memory_space<hbm>>, %arg4: memref<320000xi32, #tpu.memory_space<hbm>>, %arg5: memref<320000xi32, #tpu.memory_space<hbm>>, %arg6: memref<320000x128xf32, #tpu.memory_space<hbm>>, %arg7: memref<10000xi32, #tpu.memory_space<vmem>>, %arg8: memref<10000xi32, #tpu.memory_space<vmem>>, %arg9: memref<5x40x128xf32, #tpu.memory_space<vmem>>, %arg10: memref<10000x128xf32, #tpu.memory_space<vmem_shared>>, %arg11: memref<5x!tpu.dma_semaphore, #tpu.memory_space<semaphore_mem>>) attributes {dimension_semantics = [#tpu.dimension_semantics<core_parallel>, #tpu.dimension_semantics<subcore_parallel>], iteration_bounds = array<i64: 2, 16>, scalar_prefetch = 0 : i64, scratch_operands = 5 : i64, tpu.core_type = #tpu.core_type<sc_vector_subcore>, window_params = [{transform_indices = #map}, {transform_indices = #map}, {transform_indices = #map1}, {transform_indices = #map1}, {transform_indices = #map}]} {
    %mul3A = arith.constant 2 : i32
    %mul3A_0 = arith.muli %arg1, %mul3A : i32
    %add3A = arith.addi %mul3A_0, %arg0 : i32
    %mul3A_1 = arith.constant 10000 : i32
    %mul3A_2 = arith.muli %add3A, %mul3A_1 : i32
    %lt3A = arith.constant 10 : i32
    %lt3A_3 = arith.cmpi slt, %arg1, %lt3A : i32
    %convert_element_type3A = arith.extui %lt3A_3 : i1 to i32
    %cond3A = arith.constant 0 : i32
    %cond3A_4 = arith.cmpi ne, %convert_element_type3A, %cond3A : i32
    scf.if %cond3A_4 {
      %mul3A_89 = arith.constant 1000 : i32
      %mul3A_90 = arith.muli %arg1, %mul3A_89 : i32
      %mul3A_91 = arith.constant 1000 : i32
      %mul3A_92 = arith.muli %arg1, %mul3A_91 : i32
      "tpu.region"() ({
        %run_scoped3A = tpu.sem_alloc : memref<!tpu.dma_semaphore, #tpu.memory_space<semaphore_mem>>
        %dma_start3A = arith.constant 0 : i32
        %dma_start3A_93 = tpu.memref_slice %arg10[%mul3A_92, %dma_start3A] : memref<10000x128xf32, #tpu.memory_space<vmem_shared>> -> memref<1000x128xf32, #tpu.memory_space<vmem_shared>>
        %dma_start3A_94 = arith.constant 0 : i32
        %dma_start3A_95 = tpu.memref_slice %arg2[%mul3A_90, %dma_start3A_94] : memref<10000x128xf32, #tpu.memory_space<hbm>> -> memref<1000x128xf32, #tpu.memory_space<hbm>>
        tpu.enqueue_dma source(%dma_start3A_95 : memref<1000x128xf32, #tpu.memory_space<hbm>>) target(%dma_start3A_93 : memref<1000x128xf32, #tpu.memory_space<vmem_shared>>) target_semaphore(%run_scoped3A : memref<!tpu.dma_semaphore, #tpu.memory_space<semaphore_mem>>)
        %dma_wait3A_96 = arith.constant 0 : i32
        %dma_wait3A_97 = tpu.memref_slice %arg10[%mul3A_92, %dma_wait3A_96] : memref<10000x128xf32, #tpu.memory_space<vmem_shared>> -> memref<1000x128xf32, #tpu.memory_space<vmem_shared>>
        %dma_wait3A_98 = arith.constant 0 : i32
        %dma_wait3A_99 = tpu.memref_slice %arg2[%mul3A_90, %dma_wait3A_98] : memref<10000x128xf32, #tpu.memory_space<hbm>> -> memref<1000x128xf32, #tpu.memory_space<hbm>>
        tpu.wait_dma2 semaphore(%run_scoped3A : memref<!tpu.dma_semaphore, #tpu.memory_space<semaphore_mem>>) src(%dma_wait3A_99 : memref<1000x128xf32, #tpu.memory_space<hbm>>) dst(%dma_wait3A_97 : memref<1000x128xf32, #tpu.memory_space<vmem_shared>>)
        tpu.yield
      }) : () -> ()
    } else {
    }
    "tpu.region"() ({
      %run_scoped3A = tpu.sem_alloc : memref<!tpu.dma_semaphore, #tpu.memory_space<semaphore_mem>>
      %dma_start3A = tpu.memref_slice %arg4[%mul3A_2] : memref<320000xi32, #tpu.memory_space<hbm>> -> memref<10000xi32, #tpu.memory_space<hbm>>
      %dma_start3A_89 = tpu.memref_slice %arg4[%mul3A_2] : memref<320000xi32, #tpu.memory_space<hbm>> -> memref<10000xi32, #tpu.memory_space<hbm>>
      tpu.enqueue_dma source(%dma_start3A_89 : memref<10000xi32, #tpu.memory_space<hbm>>) target(%arg7 : memref<10000xi32, #tpu.memory_space<vmem>>) target_semaphore(%run_scoped3A : memref<!tpu.dma_semaphore, #tpu.memory_space<semaphore_mem>>)
      %dma_wait3A_90 = tpu.memref_slice %arg4[%mul3A_2] : memref<320000xi32, #tpu.memory_space<hbm>> -> memref<10000xi32, #tpu.memory_space<hbm>>
      %dma_wait3A_91 = tpu.memref_slice %arg4[%mul3A_2] : memref<320000xi32, #tpu.memory_space<hbm>> -> memref<10000xi32, #tpu.memory_space<hbm>>
      tpu.wait_dma2 semaphore(%run_scoped3A : memref<!tpu.dma_semaphore, #tpu.memory_space<semaphore_mem>>) src(%dma_wait3A_91 : memref<10000xi32, #tpu.memory_space<hbm>>) dst(%arg7 : memref<10000xi32, #tpu.memory_space<vmem>>)
      tpu.yield
    }) : () -> ()
    "tpu.region"() ({
      %run_scoped3A = tpu.sem_alloc : memref<!tpu.dma_semaphore, #tpu.memory_space<semaphore_mem>>
      %dma_start3A = tpu.memref_slice %arg5[%mul3A_2] : memref<320000xi32, #tpu.memory_space<hbm>> -> memref<10000xi32, #tpu.memory_space<hbm>>
      %dma_start3A_89 = tpu.memref_slice %arg5[%mul3A_2] : memref<320000xi32, #tpu.memory_space<hbm>> -> memref<10000xi32, #tpu.memory_space<hbm>>
      tpu.enqueue_dma source(%dma_start3A_89 : memref<10000xi32, #tpu.memory_space<hbm>>) target(%arg8 : memref<10000xi32, #tpu.memory_space<vmem>>) target_semaphore(%run_scoped3A : memref<!tpu.dma_semaphore, #tpu.memory_space<semaphore_mem>>)
      %dma_wait3A_90 = tpu.memref_slice %arg5[%mul3A_2] : memref<320000xi32, #tpu.memory_space<hbm>> -> memref<10000xi32, #tpu.memory_space<hbm>>
      %dma_wait3A_91 = tpu.memref_slice %arg5[%mul3A_2] : memref<320000xi32, #tpu.memory_space<hbm>> -> memref<10000xi32, #tpu.memory_space<hbm>>
      tpu.wait_dma2 semaphore(%run_scoped3A : memref<!tpu.dma_semaphore, #tpu.memory_space<semaphore_mem>>) src(%dma_wait3A_91 : memref<10000xi32, #tpu.memory_space<hbm>>) dst(%arg8 : memref<10000xi32, #tpu.memory_space<vmem>>)
      tpu.yield
    }) : () -> ()
    %barrier3A = arith.constant 0 : index
    tpu.barrier barrier_id(%barrier3A)
    %scan3A = arith.constant 0 : i32
    %scan3A_5 = arith.constant 0 : i32
    %scan3A_6 = arith.constant 50 : i32
    %scan3A_7 = arith.addi %scan3A_5, %scan3A_6 : i32
    %scan3A_8 = arith.constant 1 : i32
    scf.for %scan3A_89 = %scan3A_5 to %scan3A_7 step %scan3A_8  : i32 {
      %mul3A_90 = arith.constant 5 : i32
      %mul3A_91 = arith.muli %scan3A_89, %mul3A_90 : i32
      %add3A_92 = arith.constant 0 : i32
      %add3A_93 = arith.addi %mul3A_91, %add3A_92 : i32
      %mul3A_94 = arith.constant 40 : i32
      %mul3A_95 = arith.muli %add3A_93, %mul3A_94 : i32
      %gt3A = arith.constant 0 : i32
      %gt3A_96 = arith.cmpi sgt, %scan3A_89, %gt3A : i32
      %convert_element_type3A_97 = arith.extui %gt3A_96 : i1 to i32
      %cond3A_98 = arith.constant 0 : i32
      %cond3A_99 = arith.cmpi ne, %convert_element_type3A_97, %cond3A_98 : i32
      scf.if %cond3A_99 {
        %add3A_528 = arith.addi %mul3A_2, %mul3A_95 : i32
        %dma_wait3A_529 = arith.constant 0 : i32
        %dma_wait3A_530 = arith.constant 0 : i32
        %dma_wait3A_531 = arith.constant 0 : i32
        %dma_wait3A_532 = arith.constant 0 : i32
        %dma_wait3A_533 = tpu.memref_slice %arg9[%dma_wait3A_529, %dma_wait3A_531, %dma_wait3A_532] : memref<5x40x128xf32, #tpu.memory_space<vmem>> -> memref<1x40x128xf32, #tpu.memory_space<vmem>>
        %dma_wait3A_534 = tpu.memref_squeeze %dma_wait3A_533 : memref<1x40x128xf32, #tpu.memory_space<vmem>> -> memref<40x128xf32, #tpu.memory_space<vmem>>
        %dma_wait3A_535 = arith.constant 0 : i32
        %dma_wait3A_536 = tpu.memref_slice %arg6[%add3A_528, %dma_wait3A_535] : memref<320000x128xf32, #tpu.memory_space<hbm>> -> memref<40x128xf32, #tpu.memory_space<hbm>>
        %dma_wait3A_537 = tpu.memref_slice %arg11[%dma_wait3A_530] : memref<5x!tpu.dma_semaphore, #tpu.memory_space<semaphore_mem>> -> memref<1x!tpu.dma_semaphore, #tpu.memory_space<semaphore_mem>>
        %dma_wait3A_538 = tpu.memref_squeeze %dma_wait3A_537 : memref<1x!tpu.dma_semaphore, #tpu.memory_space<semaphore_mem>> -> memref<!tpu.dma_semaphore, #tpu.memory_space<semaphore_mem>>
        %dma_wait3A_539 = arith.constant 0 : i32
        %dma_wait3A_540 = arith.constant 0 : i32
        %dma_wait3A_541 = tpu.memref_slice %arg9[%dma_wait3A_529, %dma_wait3A_539, %dma_wait3A_540] : memref<5x40x128xf32, #tpu.memory_space<vmem>> -> memref<1x40x128xf32, #tpu.memory_space<vmem>>
        %dma_wait3A_542 = tpu.memref_squeeze %dma_wait3A_541 : memref<1x40x128xf32, #tpu.memory_space<vmem>> -> memref<40x128xf32, #tpu.memory_space<vmem>>
        %dma_wait3A_543 = arith.constant 0 : i32
        %dma_wait3A_544 = tpu.memref_slice %arg6[%add3A_528, %dma_wait3A_543] : memref<320000x128xf32, #tpu.memory_space<hbm>> -> memref<40x128xf32, #tpu.memory_space<hbm>>
        tpu.wait_dma2 semaphore(%dma_wait3A_538 : memref<!tpu.dma_semaphore, #tpu.memory_space<semaphore_mem>>) src(%dma_wait3A_544 : memref<40x128xf32, #tpu.memory_space<hbm>>) dst(%dma_wait3A_542 : memref<40x128xf32, #tpu.memory_space<vmem>>)
      } else {
      }
      %dma_start3A = arith.constant 0 : i32
      %dma_start3A_100 = arith.constant 0 : i32
      %dma_start3A_101 = arith.constant 0 : i32
      %dma_start3A_102 = arith.constant 0 : i32
      %dma_start3A_103 = tpu.memref_slice %arg9[%dma_start3A, %dma_start3A_101, %dma_start3A_102] : memref<5x40x128xf32, #tpu.memory_space<vmem>> -> memref<1x40x128xf32, #tpu.memory_space<vmem>>
      %dma_start3A_104 = tpu.memref_squeeze %dma_start3A_103 : memref<1x40x128xf32, #tpu.memory_space<vmem>> -> memref<40x128xf32, #tpu.memory_space<vmem>>
      %dma_start3A_105 = tpu.memref_slice %arg7[%mul3A_95] : memref<10000xi32, #tpu.memory_space<vmem>> -> memref<40xi32, #tpu.memory_space<vmem>>
      %dma_start3A_106 = arith.constant 0 : i32
      %dma_start3A_107 = arith.constant 0 : i32
      %dma_start3A_108 = tpu.memref_slice %arg10[%dma_start3A_106, %dma_start3A_107] : memref<10000x128xf32, #tpu.memory_space<vmem_shared>> -> memref<10000x128xf32, #tpu.memory_space<vmem_shared>>
      %dma_start3A_109 = tpu.memref_slice %arg11[%dma_start3A_100] : memref<5x!tpu.dma_semaphore, #tpu.memory_space<semaphore_mem>> -> memref<1x!tpu.dma_semaphore, #tpu.memory_space<semaphore_mem>>
      %dma_start3A_110 = tpu.memref_squeeze %dma_start3A_109 : memref<1x!tpu.dma_semaphore, #tpu.memory_space<semaphore_mem>> -> memref<!tpu.dma_semaphore, #tpu.memory_space<semaphore_mem>>
      tpu.enqueue_indirect_dma source(%dma_start3A_108 : memref<10000x128xf32, #tpu.memory_space<vmem_shared>>) target(%dma_start3A_104 : memref<40x128xf32, #tpu.memory_space<vmem>>) offsets(%dma_start3A_105 : memref<40xi32, #tpu.memory_space<vmem>>) semaphore(%dma_start3A_110 : memref<!tpu.dma_semaphore, #tpu.memory_space<semaphore_mem>>)
      %mul3A_111 = arith.constant 5 : i32
      %mul3A_112 = arith.muli %scan3A_89, %mul3A_111 : i32
      %add3A_113 = arith.constant 1 : i32
      %add3A_114 = arith.addi %mul3A_112, %add3A_113 : i32
      %mul3A_115 = arith.constant 40 : i32
      %mul3A_116 = arith.muli %add3A_114, %mul3A_115 : i32
      %gt3A_117 = arith.constant 0 : i32
      %gt3A_118 = arith.cmpi sgt, %scan3A_89, %gt3A_117 : i32
      %convert_element_type3A_119 = arith.extui %gt3A_118 : i1 to i32
      %cond3A_120 = arith.constant 0 : i32
      %cond3A_121 = arith.cmpi ne, %convert_element_type3A_119, %cond3A_120 : i32
      scf.if %cond3A_121 {
        %add3A_528 = arith.addi %mul3A_2, %mul3A_116 : i32
        %dma_wait3A_529 = arith.constant 1 : i32
        %dma_wait3A_530 = arith.constant 1 : i32
        %dma_wait3A_531 = arith.constant 0 : i32
        %dma_wait3A_532 = arith.constant 0 : i32
        %dma_wait3A_533 = tpu.memref_slice %arg9[%dma_wait3A_529, %dma_wait3A_531, %dma_wait3A_532] : memref<5x40x128xf32, #tpu.memory_space<vmem>> -> memref<1x40x128xf32, #tpu.memory_space<vmem>>
        %dma_wait3A_534 = tpu.memref_squeeze %dma_wait3A_533 : memref<1x40x128xf32, #tpu.memory_space<vmem>> -> memref<40x128xf32, #tpu.memory_space<vmem>>
        %dma_wait3A_535 = arith.constant 0 : i32
        %dma_wait3A_536 = tpu.memref_slice %arg6[%add3A_528, %dma_wait3A_535] : memref<320000x128xf32, #tpu.memory_space<hbm>> -> memref<40x128xf32, #tpu.memory_space<hbm>>
        %dma_wait3A_537 = tpu.memref_slice %arg11[%dma_wait3A_530] : memref<5x!tpu.dma_semaphore, #tpu.memory_space<semaphore_mem>> -> memref<1x!tpu.dma_semaphore, #tpu.memory_space<semaphore_mem>>
        %dma_wait3A_538 = tpu.memref_squeeze %dma_wait3A_537 : memref<1x!tpu.dma_semaphore, #tpu.memory_space<semaphore_mem>> -> memref<!tpu.dma_semaphore, #tpu.memory_space<semaphore_mem>>
        %dma_wait3A_539 = arith.constant 0 : i32
        %dma_wait3A_540 = arith.constant 0 : i32
        %dma_wait3A_541 = tpu.memref_slice %arg9[%dma_wait3A_529, %dma_wait3A_539, %dma_wait3A_540] : memref<5x40x128xf32, #tpu.memory_space<vmem>> -> memref<1x40x128xf32, #tpu.memory_space<vmem>>
        %dma_wait3A_542 = tpu.memref_squeeze %dma_wait3A_541 : memref<1x40x128xf32, #tpu.memory_space<vmem>> -> memref<40x128xf32, #tpu.memory_space<vmem>>
        %dma_wait3A_543 = arith.constant 0 : i32
        %dma_wait3A_544 = tpu.memref_slice %arg6[%add3A_528, %dma_wait3A_543] : memref<320000x128xf32, #tpu.memory_space<hbm>> -> memref<40x128xf32, #tpu.memory_space<hbm>>
        tpu.wait_dma2 semaphore(%dma_wait3A_538 : memref<!tpu.dma_semaphore, #tpu.memory_space<semaphore_mem>>) src(%dma_wait3A_544 : memref<40x128xf32, #tpu.memory_space<hbm>>) dst(%dma_wait3A_542 : memref<40x128xf32, #tpu.memory_space<vmem>>)
      } else {
      }
      %dma_start3A_122 = arith.constant 1 : i32
      %dma_start3A_123 = arith.constant 1 : i32
      %dma_start3A_124 = arith.constant 0 : i32
      %dma_start3A_125 = arith.constant 0 : i32
      %dma_start3A_126 = tpu.memref_slice %arg9[%dma_start3A_122, %dma_start3A_124, %dma_start3A_125] : memref<5x40x128xf32, #tpu.memory_space<vmem>> -> memref<1x40x128xf32, #tpu.memory_space<vmem>>
      %dma_start3A_127 = tpu.memref_squeeze %dma_start3A_126 : memref<1x40x128xf32, #tpu.memory_space<vmem>> -> memref<40x128xf32, #tpu.memory_space<vmem>>
      %dma_start3A_128 = tpu.memref_slice %arg7[%mul3A_116] : memref<10000xi32, #tpu.memory_space<vmem>> -> memref<40xi32, #tpu.memory_space<vmem>>
      %dma_start3A_129 = arith.constant 0 : i32
      %dma_start3A_130 = arith.constant 0 : i32
      %dma_start3A_131 = tpu.memref_slice %arg10[%dma_start3A_129, %dma_start3A_130] : memref<10000x128xf32, #tpu.memory_space<vmem_shared>> -> memref<10000x128xf32, #tpu.memory_space<vmem_shared>>
      %dma_start3A_132 = tpu.memref_slice %arg11[%dma_start3A_123] : memref<5x!tpu.dma_semaphore, #tpu.memory_space<semaphore_mem>> -> memref<1x!tpu.dma_semaphore, #tpu.memory_space<semaphore_mem>>
      %dma_start3A_133 = tpu.memref_squeeze %dma_start3A_132 : memref<1x!tpu.dma_semaphore, #tpu.memory_space<semaphore_mem>> -> memref<!tpu.dma_semaphore, #tpu.memory_space<semaphore_mem>>
      tpu.enqueue_indirect_dma source(%dma_start3A_131 : memref<10000x128xf32, #tpu.memory_space<vmem_shared>>) target(%dma_start3A_127 : memref<40x128xf32, #tpu.memory_space<vmem>>) offsets(%dma_start3A_128 : memref<40xi32, #tpu.memory_space<vmem>>) semaphore(%dma_start3A_133 : memref<!tpu.dma_semaphore, #tpu.memory_space<semaphore_mem>>)
      %mul3A_134 = arith.constant 5 : i32
      %mul3A_135 = arith.muli %scan3A_89, %mul3A_134 : i32
      %add3A_136 = arith.constant 2 : i32
      %add3A_137 = arith.addi %mul3A_135, %add3A_136 : i32
      %mul3A_138 = arith.constant 40 : i32
      %mul3A_139 = arith.muli %add3A_137, %mul3A_138 : i32
      %gt3A_140 = arith.constant 0 : i32
      %gt3A_141 = arith.cmpi sgt, %scan3A_89, %gt3A_140 : i32
      %convert_element_type3A_142 = arith.extui %gt3A_141 : i1 to i32
      %cond3A_143 = arith.constant 0 : i32
      %cond3A_144 = arith.cmpi ne, %convert_element_type3A_142, %cond3A_143 : i32
      scf.if %cond3A_144 {
        %add3A_528 = arith.addi %mul3A_2, %mul3A_139 : i32
        %dma_wait3A_529 = arith.constant 2 : i32
        %dma_wait3A_530 = arith.constant 2 : i32
        %dma_wait3A_531 = arith.constant 0 : i32
        %dma_wait3A_532 = arith.constant 0 : i32
        %dma_wait3A_533 = tpu.memref_slice %arg9[%dma_wait3A_529, %dma_wait3A_531, %dma_wait3A_532] : memref<5x40x128xf32, #tpu.memory_space<vmem>> -> memref<1x40x128xf32, #tpu.memory_space<vmem>>
        %dma_wait3A_534 = tpu.memref_squeeze %dma_wait3A_533 : memref<1x40x128xf32, #tpu.memory_space<vmem>> -> memref<40x128xf32, #tpu.memory_space<vmem>>
        %dma_wait3A_535 = arith.constant 0 : i32
        %dma_wait3A_536 = tpu.memref_slice %arg6[%add3A_528, %dma_wait3A_535] : memref<320000x128xf32, #tpu.memory_space<hbm>> -> memref<40x128xf32, #tpu.memory_space<hbm>>
        %dma_wait3A_537 = tpu.memref_slice %arg11[%dma_wait3A_530] : memref<5x!tpu.dma_semaphore, #tpu.memory_space<semaphore_mem>> -> memref<1x!tpu.dma_semaphore, #tpu.memory_space<semaphore_mem>>
        %dma_wait3A_538 = tpu.memref_squeeze %dma_wait3A_537 : memref<1x!tpu.dma_semaphore, #tpu.memory_space<semaphore_mem>> -> memref<!tpu.dma_semaphore, #tpu.memory_space<semaphore_mem>>
        %dma_wait3A_539 = arith.constant 0 : i32
        %dma_wait3A_540 = arith.constant 0 : i32
        %dma_wait3A_541 = tpu.memref_slice %arg9[%dma_wait3A_529, %dma_wait3A_539, %dma_wait3A_540] : memref<5x40x128xf32, #tpu.memory_space<vmem>> -> memref<1x40x128xf32, #tpu.memory_space<vmem>>
        %dma_wait3A_542 = tpu.memref_squeeze %dma_wait3A_541 : memref<1x40x128xf32, #tpu.memory_space<vmem>> -> memref<40x128xf32, #tpu.memory_space<vmem>>
        %dma_wait3A_543 = arith.constant 0 : i32
        %dma_wait3A_544 = tpu.memref_slice %arg6[%add3A_528, %dma_wait3A_543] : memref<320000x128xf32, #tpu.memory_space<hbm>> -> memref<40x128xf32, #tpu.memory_space<hbm>>
        tpu.wait_dma2 semaphore(%dma_wait3A_538 : memref<!tpu.dma_semaphore, #tpu.memory_space<semaphore_mem>>) src(%dma_wait3A_544 : memref<40x128xf32, #tpu.memory_space<hbm>>) dst(%dma_wait3A_542 : memref<40x128xf32, #tpu.memory_space<vmem>>)
      } else {
      }
      %dma_start3A_145 = arith.constant 2 : i32
      %dma_start3A_146 = arith.constant 2 : i32
      %dma_start3A_147 = arith.constant 0 : i32
      %dma_start3A_148 = arith.constant 0 : i32
      %dma_start3A_149 = tpu.memref_slice %arg9[%dma_start3A_145, %dma_start3A_147, %dma_start3A_148] : memref<5x40x128xf32, #tpu.memory_space<vmem>> -> memref<1x40x128xf32, #tpu.memory_space<vmem>>
      %dma_start3A_150 = tpu.memref_squeeze %dma_start3A_149 : memref<1x40x128xf32, #tpu.memory_space<vmem>> -> memref<40x128xf32, #tpu.memory_space<vmem>>
      %dma_start3A_151 = tpu.memref_slice %arg7[%mul3A_139] : memref<10000xi32, #tpu.memory_space<vmem>> -> memref<40xi32, #tpu.memory_space<vmem>>
      %dma_start3A_152 = arith.constant 0 : i32
      %dma_start3A_153 = arith.constant 0 : i32
      %dma_start3A_154 = tpu.memref_slice %arg10[%dma_start3A_152, %dma_start3A_153] : memref<10000x128xf32, #tpu.memory_space<vmem_shared>> -> memref<10000x128xf32, #tpu.memory_space<vmem_shared>>
      %dma_start3A_155 = tpu.memref_slice %arg11[%dma_start3A_146] : memref<5x!tpu.dma_semaphore, #tpu.memory_space<semaphore_mem>> -> memref<1x!tpu.dma_semaphore, #tpu.memory_space<semaphore_mem>>
      %dma_start3A_156 = tpu.memref_squeeze %dma_start3A_155 : memref<1x!tpu.dma_semaphore, #tpu.memory_space<semaphore_mem>> -> memref<!tpu.dma_semaphore, #tpu.memory_space<semaphore_mem>>
      tpu.enqueue_indirect_dma source(%dma_start3A_154 : memref<10000x128xf32, #tpu.memory_space<vmem_shared>>) target(%dma_start3A_150 : memref<40x128xf32, #tpu.memory_space<vmem>>) offsets(%dma_start3A_151 : memref<40xi32, #tpu.memory_space<vmem>>) semaphore(%dma_start3A_156 : memref<!tpu.dma_semaphore, #tpu.memory_space<semaphore_mem>>)
      %mul3A_157 = arith.constant 5 : i32
      %mul3A_158 = arith.muli %scan3A_89, %mul3A_157 : i32
      %add3A_159 = arith.constant 3 : i32
      %add3A_160 = arith.addi %mul3A_158, %add3A_159 : i32
      %mul3A_161 = arith.constant 40 : i32
      %mul3A_162 = arith.muli %add3A_160, %mul3A_161 : i32
      %gt3A_163 = arith.constant 0 : i32
      %gt3A_164 = arith.cmpi sgt, %scan3A_89, %gt3A_163 : i32
      %convert_element_type3A_165 = arith.extui %gt3A_164 : i1 to i32
      %cond3A_166 = arith.constant 0 : i32
      %cond3A_167 = arith.cmpi ne, %convert_element_type3A_165, %cond3A_166 : i32
      scf.if %cond3A_167 {
        %add3A_528 = arith.addi %mul3A_2, %mul3A_162 : i32
        %dma_wait3A_529 = arith.constant 3 : i32
        %dma_wait3A_530 = arith.constant 3 : i32
        %dma_wait3A_531 = arith.constant 0 : i32
        %dma_wait3A_532 = arith.constant 0 : i32
        %dma_wait3A_533 = tpu.memref_slice %arg9[%dma_wait3A_529, %dma_wait3A_531, %dma_wait3A_532] : memref<5x40x128xf32, #tpu.memory_space<vmem>> -> memref<1x40x128xf32, #tpu.memory_space<vmem>>
        %dma_wait3A_534 = tpu.memref_squeeze %dma_wait3A_533 : memref<1x40x128xf32, #tpu.memory_space<vmem>> -> memref<40x128xf32, #tpu.memory_space<vmem>>
        %dma_wait3A_535 = arith.constant 0 : i32
        %dma_wait3A_536 = tpu.memref_slice %arg6[%add3A_528, %dma_wait3A_535] : memref<320000x128xf32, #tpu.memory_space<hbm>> -> memref<40x128xf32, #tpu.memory_space<hbm>>
        %dma_wait3A_537 = tpu.memref_slice %arg11[%dma_wait3A_530] : memref<5x!tpu.dma_semaphore, #tpu.memory_space<semaphore_mem>> -> memref<1x!tpu.dma_semaphore, #tpu.memory_space<semaphore_mem>>
        %dma_wait3A_538 = tpu.memref_squeeze %dma_wait3A_537 : memref<1x!tpu.dma_semaphore, #tpu.memory_space<semaphore_mem>> -> memref<!tpu.dma_semaphore, #tpu.memory_space<semaphore_mem>>
        %dma_wait3A_539 = arith.constant 0 : i32
        %dma_wait3A_540 = arith.constant 0 : i32
        %dma_wait3A_541 = tpu.memref_slice %arg9[%dma_wait3A_529, %dma_wait3A_539, %dma_wait3A_540] : memref<5x40x128xf32, #tpu.memory_space<vmem>> -> memref<1x40x128xf32, #tpu.memory_space<vmem>>
        %dma_wait3A_542 = tpu.memref_squeeze %dma_wait3A_541 : memref<1x40x128xf32, #tpu.memory_space<vmem>> -> memref<40x128xf32, #tpu.memory_space<vmem>>
        %dma_wait3A_543 = arith.constant 0 : i32
        %dma_wait3A_544 = tpu.memref_slice %arg6[%add3A_528, %dma_wait3A_543] : memref<320000x128xf32, #tpu.memory_space<hbm>> -> memref<40x128xf32, #tpu.memory_space<hbm>>
        tpu.wait_dma2 semaphore(%dma_wait3A_538 : memref<!tpu.dma_semaphore, #tpu.memory_space<semaphore_mem>>) src(%dma_wait3A_544 : memref<40x128xf32, #tpu.memory_space<hbm>>) dst(%dma_wait3A_542 : memref<40x128xf32, #tpu.memory_space<vmem>>)
      } else {
      }
      %dma_start3A_168 = arith.constant 3 : i32
      %dma_start3A_169 = arith.constant 3 : i32
      %dma_start3A_170 = arith.constant 0 : i32
      %dma_start3A_171 = arith.constant 0 : i32
      %dma_start3A_172 = tpu.memref_slice %arg9[%dma_start3A_168, %dma_start3A_170, %dma_start3A_171] : memref<5x40x128xf32, #tpu.memory_space<vmem>> -> memref<1x40x128xf32, #tpu.memory_space<vmem>>
      %dma_start3A_173 = tpu.memref_squeeze %dma_start3A_172 : memref<1x40x128xf32, #tpu.memory_space<vmem>> -> memref<40x128xf32, #tpu.memory_space<vmem>>
      %dma_start3A_174 = tpu.memref_slice %arg7[%mul3A_162] : memref<10000xi32, #tpu.memory_space<vmem>> -> memref<40xi32, #tpu.memory_space<vmem>>
      %dma_start3A_175 = arith.constant 0 : i32
      %dma_start3A_176 = arith.constant 0 : i32
      %dma_start3A_177 = tpu.memref_slice %arg10[%dma_start3A_175, %dma_start3A_176] : memref<10000x128xf32, #tpu.memory_space<vmem_shared>> -> memref<10000x128xf32, #tpu.memory_space<vmem_shared>>
      %dma_start3A_178 = tpu.memref_slice %arg11[%dma_start3A_169] : memref<5x!tpu.dma_semaphore, #tpu.memory_space<semaphore_mem>> -> memref<1x!tpu.dma_semaphore, #tpu.memory_space<semaphore_mem>>
      %dma_start3A_179 = tpu.memref_squeeze %dma_start3A_178 : memref<1x!tpu.dma_semaphore, #tpu.memory_space<semaphore_mem>> -> memref<!tpu.dma_semaphore, #tpu.memory_space<semaphore_mem>>
      tpu.enqueue_indirect_dma source(%dma_start3A_177 : memref<10000x128xf32, #tpu.memory_space<vmem_shared>>) target(%dma_start3A_173 : memref<40x128xf32, #tpu.memory_space<vmem>>) offsets(%dma_start3A_174 : memref<40xi32, #tpu.memory_space<vmem>>) semaphore(%dma_start3A_179 : memref<!tpu.dma_semaphore, #tpu.memory_space<semaphore_mem>>)
      %mul3A_180 = arith.constant 5 : i32
      %mul3A_181 = arith.muli %scan3A_89, %mul3A_180 : i32
      %add3A_182 = arith.constant 4 : i32
      %add3A_183 = arith.addi %mul3A_181, %add3A_182 : i32
      %mul3A_184 = arith.constant 40 : i32
      %mul3A_185 = arith.muli %add3A_183, %mul3A_184 : i32
      %gt3A_186 = arith.constant 0 : i32
      %gt3A_187 = arith.cmpi sgt, %scan3A_89, %gt3A_186 : i32
      %convert_element_type3A_188 = arith.extui %gt3A_187 : i1 to i32
      %cond3A_189 = arith.constant 0 : i32
      %cond3A_190 = arith.cmpi ne, %convert_element_type3A_188, %cond3A_189 : i32
      scf.if %cond3A_190 {
        %add3A_528 = arith.addi %mul3A_2, %mul3A_185 : i32
        %dma_wait3A_529 = arith.constant 4 : i32
        %dma_wait3A_530 = arith.constant 4 : i32
        %dma_wait3A_531 = arith.constant 0 : i32
        %dma_wait3A_532 = arith.constant 0 : i32
        %dma_wait3A_533 = tpu.memref_slice %arg9[%dma_wait3A_529, %dma_wait3A_531, %dma_wait3A_532] : memref<5x40x128xf32, #tpu.memory_space<vmem>> -> memref<1x40x128xf32, #tpu.memory_space<vmem>>
        %dma_wait3A_534 = tpu.memref_squeeze %dma_wait3A_533 : memref<1x40x128xf32, #tpu.memory_space<vmem>> -> memref<40x128xf32, #tpu.memory_space<vmem>>
        %dma_wait3A_535 = arith.constant 0 : i32
        %dma_wait3A_536 = tpu.memref_slice %arg6[%add3A_528, %dma_wait3A_535] : memref<320000x128xf32, #tpu.memory_space<hbm>> -> memref<40x128xf32, #tpu.memory_space<hbm>>
        %dma_wait3A_537 = tpu.memref_slice %arg11[%dma_wait3A_530] : memref<5x!tpu.dma_semaphore, #tpu.memory_space<semaphore_mem>> -> memref<1x!tpu.dma_semaphore, #tpu.memory_space<semaphore_mem>>
        %dma_wait3A_538 = tpu.memref_squeeze %dma_wait3A_537 : memref<1x!tpu.dma_semaphore, #tpu.memory_space<semaphore_mem>> -> memref<!tpu.dma_semaphore, #tpu.memory_space<semaphore_mem>>
        %dma_wait3A_539 = arith.constant 0 : i32
        %dma_wait3A_540 = arith.constant 0 : i32
        %dma_wait3A_541 = tpu.memref_slice %arg9[%dma_wait3A_529, %dma_wait3A_539, %dma_wait3A_540] : memref<5x40x128xf32, #tpu.memory_space<vmem>> -> memref<1x40x128xf32, #tpu.memory_space<vmem>>
        %dma_wait3A_542 = tpu.memref_squeeze %dma_wait3A_541 : memref<1x40x128xf32, #tpu.memory_space<vmem>> -> memref<40x128xf32, #tpu.memory_space<vmem>>
        %dma_wait3A_543 = arith.constant 0 : i32
        %dma_wait3A_544 = tpu.memref_slice %arg6[%add3A_528, %dma_wait3A_543] : memref<320000x128xf32, #tpu.memory_space<hbm>> -> memref<40x128xf32, #tpu.memory_space<hbm>>
        tpu.wait_dma2 semaphore(%dma_wait3A_538 : memref<!tpu.dma_semaphore, #tpu.memory_space<semaphore_mem>>) src(%dma_wait3A_544 : memref<40x128xf32, #tpu.memory_space<hbm>>) dst(%dma_wait3A_542 : memref<40x128xf32, #tpu.memory_space<vmem>>)
      } else {
      }
      %dma_start3A_191 = arith.constant 4 : i32
      %dma_start3A_192 = arith.constant 4 : i32
      %dma_start3A_193 = arith.constant 0 : i32
      %dma_start3A_194 = arith.constant 0 : i32
      %dma_start3A_195 = tpu.memref_slice %arg9[%dma_start3A_191, %dma_start3A_193, %dma_start3A_194] : memref<5x40x128xf32, #tpu.memory_space<vmem>> -> memref<1x40x128xf32, #tpu.memory_space<vmem>>
      %dma_start3A_196 = tpu.memref_squeeze %dma_start3A_195 : memref<1x40x128xf32, #tpu.memory_space<vmem>> -> memref<40x128xf32, #tpu.memory_space<vmem>>
      %dma_start3A_197 = tpu.memref_slice %arg7[%mul3A_185] : memref<10000xi32, #tpu.memory_space<vmem>> -> memref<40xi32, #tpu.memory_space<vmem>>
      %dma_start3A_198 = arith.constant 0 : i32
      %dma_start3A_199 = arith.constant 0 : i32
      %dma_start3A_200 = tpu.memref_slice %arg10[%dma_start3A_198, %dma_start3A_199] : memref<10000x128xf32, #tpu.memory_space<vmem_shared>> -> memref<10000x128xf32, #tpu.memory_space<vmem_shared>>
      %dma_start3A_201 = tpu.memref_slice %arg11[%dma_start3A_192] : memref<5x!tpu.dma_semaphore, #tpu.memory_space<semaphore_mem>> -> memref<1x!tpu.dma_semaphore, #tpu.memory_space<semaphore_mem>>
      %dma_start3A_202 = tpu.memref_squeeze %dma_start3A_201 : memref<1x!tpu.dma_semaphore, #tpu.memory_space<semaphore_mem>> -> memref<!tpu.dma_semaphore, #tpu.memory_space<semaphore_mem>>
      tpu.enqueue_indirect_dma source(%dma_start3A_200 : memref<10000x128xf32, #tpu.memory_space<vmem_shared>>) target(%dma_start3A_196 : memref<40x128xf32, #tpu.memory_space<vmem>>) offsets(%dma_start3A_197 : memref<40xi32, #tpu.memory_space<vmem>>) semaphore(%dma_start3A_202 : memref<!tpu.dma_semaphore, #tpu.memory_space<semaphore_mem>>)
      %mul3A_203 = arith.constant 5 : i32
      %mul3A_204 = arith.muli %scan3A_89, %mul3A_203 : i32
      %add3A_205 = arith.constant 0 : i32
      %add3A_206 = arith.addi %mul3A_204, %add3A_205 : i32
      %mul3A_207 = arith.constant 40 : i32
      %mul3A_208 = arith.muli %add3A_206, %mul3A_207 : i32
      %dma_wait3A_209 = arith.constant 0 : i32
      %dma_wait3A_210 = arith.constant 0 : i32
      %dma_wait3A_211 = arith.constant 0 : i32
      %dma_wait3A_212 = arith.constant 0 : i32
      %dma_wait3A_213 = tpu.memref_slice %arg9[%dma_wait3A_209, %dma_wait3A_211, %dma_wait3A_212] : memref<5x40x128xf32, #tpu.memory_space<vmem>> -> memref<1x40x128xf32, #tpu.memory_space<vmem>>
      %dma_wait3A_214 = tpu.memref_squeeze %dma_wait3A_213 : memref<1x40x128xf32, #tpu.memory_space<vmem>> -> memref<40x128xf32, #tpu.memory_space<vmem>>
      %dma_wait3A_215 = tpu.memref_slice %arg7[%mul3A_95] : memref<10000xi32, #tpu.memory_space<vmem>> -> memref<40xi32, #tpu.memory_space<vmem>>
      %dma_wait3A_216 = arith.constant 0 : i32
      %dma_wait3A_217 = arith.constant 0 : i32
      %dma_wait3A_218 = tpu.memref_slice %arg10[%dma_wait3A_216, %dma_wait3A_217] : memref<10000x128xf32, #tpu.memory_space<vmem_shared>> -> memref<10000x128xf32, #tpu.memory_space<vmem_shared>>
      %dma_wait3A_219 = tpu.memref_slice %arg11[%dma_wait3A_210] : memref<5x!tpu.dma_semaphore, #tpu.memory_space<semaphore_mem>> -> memref<1x!tpu.dma_semaphore, #tpu.memory_space<semaphore_mem>>
      %dma_wait3A_220 = tpu.memref_squeeze %dma_wait3A_219 : memref<1x!tpu.dma_semaphore, #tpu.memory_space<semaphore_mem>> -> memref<!tpu.dma_semaphore, #tpu.memory_space<semaphore_mem>>
      tpu.wait_indirect_dma semaphore(%dma_wait3A_220 : memref<!tpu.dma_semaphore, #tpu.memory_space<semaphore_mem>>) src(%dma_wait3A_218 : memref<10000x128xf32, #tpu.memory_space<vmem_shared>>) dst(%dma_wait3A_214 : memref<40x128xf32, #tpu.memory_space<vmem>>)
      %dma_start3A_221 = arith.constant 0 : i32
      %dma_start3A_222 = arith.constant 0 : i32
      %dma_start3A_223 = arith.constant 0 : i32
      %dma_start3A_224 = arith.constant 0 : i32
      %dma_start3A_225 = tpu.memref_slice %arg9[%dma_start3A_221, %dma_start3A_223, %dma_start3A_224] : memref<5x40x128xf32, #tpu.memory_space<vmem>> -> memref<1x40x128xf32, #tpu.memory_space<vmem>>
      %dma_start3A_226 = tpu.memref_squeeze %dma_start3A_225 : memref<1x40x128xf32, #tpu.memory_space<vmem>> -> memref<40x128xf32, #tpu.memory_space<vmem>>
      %dma_start3A_227 = tpu.memref_slice %arg8[%mul3A_208] : memref<10000xi32, #tpu.memory_space<vmem>> -> memref<40xi32, #tpu.memory_space<vmem>>
      %dma_start3A_228 = arith.constant 0 : i32
      %dma_start3A_229 = arith.constant 0 : i32
      %dma_start3A_230 = tpu.memref_slice %arg3[%dma_start3A_228, %dma_start3A_229] : memref<10000x128xf32, #tpu.memory_space<hbm>> -> memref<10000x128xf32, #tpu.memory_space<hbm>>
      %dma_start3A_231 = tpu.memref_slice %arg11[%dma_start3A_222] : memref<5x!tpu.dma_semaphore, #tpu.memory_space<semaphore_mem>> -> memref<1x!tpu.dma_semaphore, #tpu.memory_space<semaphore_mem>>
      %dma_start3A_232 = tpu.memref_squeeze %dma_start3A_231 : memref<1x!tpu.dma_semaphore, #tpu.memory_space<semaphore_mem>> -> memref<!tpu.dma_semaphore, #tpu.memory_space<semaphore_mem>>
      tpu.enqueue_indirect_dma source(%dma_start3A_230 : memref<10000x128xf32, #tpu.memory_space<hbm>>) target(%dma_start3A_226 : memref<40x128xf32, #tpu.memory_space<vmem>>) offsets(%dma_start3A_227 : memref<40xi32, #tpu.memory_space<vmem>>) semaphore(%dma_start3A_232 : memref<!tpu.dma_semaphore, #tpu.memory_space<semaphore_mem>>) {add = true}
      %mul3A_233 = arith.constant 5 : i32
      %mul3A_234 = arith.muli %scan3A_89, %mul3A_233 : i32
      %add3A_235 = arith.constant 1 : i32
      %add3A_236 = arith.addi %mul3A_234, %add3A_235 : i32
      %mul3A_237 = arith.constant 40 : i32
      %mul3A_238 = arith.muli %add3A_236, %mul3A_237 : i32
      %dma_wait3A_239 = arith.constant 1 : i32
      %dma_wait3A_240 = arith.constant 1 : i32
      %dma_wait3A_241 = arith.constant 0 : i32
      %dma_wait3A_242 = arith.constant 0 : i32
      %dma_wait3A_243 = tpu.memref_slice %arg9[%dma_wait3A_239, %dma_wait3A_241, %dma_wait3A_242] : memref<5x40x128xf32, #tpu.memory_space<vmem>> -> memref<1x40x128xf32, #tpu.memory_space<vmem>>
      %dma_wait3A_244 = tpu.memref_squeeze %dma_wait3A_243 : memref<1x40x128xf32, #tpu.memory_space<vmem>> -> memref<40x128xf32, #tpu.memory_space<vmem>>
      %dma_wait3A_245 = tpu.memref_slice %arg7[%mul3A_116] : memref<10000xi32, #tpu.memory_space<vmem>> -> memref<40xi32, #tpu.memory_space<vmem>>
      %dma_wait3A_246 = arith.constant 0 : i32
      %dma_wait3A_247 = arith.constant 0 : i32
      %dma_wait3A_248 = tpu.memref_slice %arg10[%dma_wait3A_246, %dma_wait3A_247] : memref<10000x128xf32, #tpu.memory_space<vmem_shared>> -> memref<10000x128xf32, #tpu.memory_space<vmem_shared>>
      %dma_wait3A_249 = tpu.memref_slice %arg11[%dma_wait3A_240] : memref<5x!tpu.dma_semaphore, #tpu.memory_space<semaphore_mem>> -> memref<1x!tpu.dma_semaphore, #tpu.memory_space<semaphore_mem>>
      %dma_wait3A_250 = tpu.memref_squeeze %dma_wait3A_249 : memref<1x!tpu.dma_semaphore, #tpu.memory_space<semaphore_mem>> -> memref<!tpu.dma_semaphore, #tpu.memory_space<semaphore_mem>>
      tpu.wait_indirect_dma semaphore(%dma_wait3A_250 : memref<!tpu.dma_semaphore, #tpu.memory_space<semaphore_mem>>) src(%dma_wait3A_248 : memref<10000x128xf32, #tpu.memory_space<vmem_shared>>) dst(%dma_wait3A_244 : memref<40x128xf32, #tpu.memory_space<vmem>>)
      %dma_start3A_251 = arith.constant 1 : i32
      %dma_start3A_252 = arith.constant 1 : i32
      %dma_start3A_253 = arith.constant 0 : i32
      %dma_start3A_254 = arith.constant 0 : i32
      %dma_start3A_255 = tpu.memref_slice %arg9[%dma_start3A_251, %dma_start3A_253, %dma_start3A_254] : memref<5x40x128xf32, #tpu.memory_space<vmem>> -> memref<1x40x128xf32, #tpu.memory_space<vmem>>
      %dma_start3A_256 = tpu.memref_squeeze %dma_start3A_255 : memref<1x40x128xf32, #tpu.memory_space<vmem>> -> memref<40x128xf32, #tpu.memory_space<vmem>>
      %dma_start3A_257 = tpu.memref_slice %arg8[%mul3A_238] : memref<10000xi32, #tpu.memory_space<vmem>> -> memref<40xi32, #tpu.memory_space<vmem>>
      %dma_start3A_258 = arith.constant 0 : i32
      %dma_start3A_259 = arith.constant 0 : i32
      %dma_start3A_260 = tpu.memref_slice %arg3[%dma_start3A_258, %dma_start3A_259] : memref<10000x128xf32, #tpu.memory_space<hbm>> -> memref<10000x128xf32, #tpu.memory_space<hbm>>
      %dma_start3A_261 = tpu.memref_slice %arg11[%dma_start3A_252] : memref<5x!tpu.dma_semaphore, #tpu.memory_space<semaphore_mem>> -> memref<1x!tpu.dma_semaphore, #tpu.memory_space<semaphore_mem>>
      %dma_start3A_262 = tpu.memref_squeeze %dma_start3A_261 : memref<1x!tpu.dma_semaphore, #tpu.memory_space<semaphore_mem>> -> memref<!tpu.dma_semaphore, #tpu.memory_space<semaphore_mem>>
      tpu.enqueue_indirect_dma source(%dma_start3A_260 : memref<10000x128xf32, #tpu.memory_space<hbm>>) target(%dma_start3A_256 : memref<40x128xf32, #tpu.memory_space<vmem>>) offsets(%dma_start3A_257 : memref<40xi32, #tpu.memory_space<vmem>>) semaphore(%dma_start3A_262 : memref<!tpu.dma_semaphore, #tpu.memory_space<semaphore_mem>>) {add = true}
      %mul3A_263 = arith.constant 5 : i32
      %mul3A_264 = arith.muli %scan3A_89, %mul3A_263 : i32
      %add3A_265 = arith.constant 2 : i32
      %add3A_266 = arith.addi %mul3A_264, %add3A_265 : i32
      %mul3A_267 = arith.constant 40 : i32
      %mul3A_268 = arith.muli %add3A_266, %mul3A_267 : i32
      %dma_wait3A_269 = arith.constant 2 : i32
      %dma_wait3A_270 = arith.constant 2 : i32
      %dma_wait3A_271 = arith.constant 0 : i32
      %dma_wait3A_272 = arith.constant 0 : i32
      %dma_wait3A_273 = tpu.memref_slice %arg9[%dma_wait3A_269, %dma_wait3A_271, %dma_wait3A_272] : memref<5x40x128xf32, #tpu.memory_space<vmem>> -> memref<1x40x128xf32, #tpu.memory_space<vmem>>
      %dma_wait3A_274 = tpu.memref_squeeze %dma_wait3A_273 : memref<1x40x128xf32, #tpu.memory_space<vmem>> -> memref<40x128xf32, #tpu.memory_space<vmem>>
      %dma_wait3A_275 = tpu.memref_slice %arg7[%mul3A_139] : memref<10000xi32, #tpu.memory_space<vmem>> -> memref<40xi32, #tpu.memory_space<vmem>>
      %dma_wait3A_276 = arith.constant 0 : i32
      %dma_wait3A_277 = arith.constant 0 : i32
      %dma_wait3A_278 = tpu.memref_slice %arg10[%dma_wait3A_276, %dma_wait3A_277] : memref<10000x128xf32, #tpu.memory_space<vmem_shared>> -> memref<10000x128xf32, #tpu.memory_space<vmem_shared>>
      %dma_wait3A_279 = tpu.memref_slice %arg11[%dma_wait3A_270] : memref<5x!tpu.dma_semaphore, #tpu.memory_space<semaphore_mem>> -> memref<1x!tpu.dma_semaphore, #tpu.memory_space<semaphore_mem>>
      %dma_wait3A_280 = tpu.memref_squeeze %dma_wait3A_279 : memref<1x!tpu.dma_semaphore, #tpu.memory_space<semaphore_mem>> -> memref<!tpu.dma_semaphore, #tpu.memory_space<semaphore_mem>>
      tpu.wait_indirect_dma semaphore(%dma_wait3A_280 : memref<!tpu.dma_semaphore, #tpu.memory_space<semaphore_mem>>) src(%dma_wait3A_278 : memref<10000x128xf32, #tpu.memory_space<vmem_shared>>) dst(%dma_wait3A_274 : memref<40x128xf32, #tpu.memory_space<vmem>>)
      %dma_start3A_281 = arith.constant 2 : i32
      %dma_start3A_282 = arith.constant 2 : i32
      %dma_start3A_283 = arith.constant 0 : i32
      %dma_start3A_284 = arith.constant 0 : i32
      %dma_start3A_285 = tpu.memref_slice %arg9[%dma_start3A_281, %dma_start3A_283, %dma_start3A_284] : memref<5x40x128xf32, #tpu.memory_space<vmem>> -> memref<1x40x128xf32, #tpu.memory_space<vmem>>
      %dma_start3A_286 = tpu.memref_squeeze %dma_start3A_285 : memref<1x40x128xf32, #tpu.memory_space<vmem>> -> memref<40x128xf32, #tpu.memory_space<vmem>>
      %dma_start3A_287 = tpu.memref_slice %arg8[%mul3A_268] : memref<10000xi32, #tpu.memory_space<vmem>> -> memref<40xi32, #tpu.memory_space<vmem>>
      %dma_start3A_288 = arith.constant 0 : i32
      %dma_start3A_289 = arith.constant 0 : i32
      %dma_start3A_290 = tpu.memref_slice %arg3[%dma_start3A_288, %dma_start3A_289] : memref<10000x128xf32, #tpu.memory_space<hbm>> -> memref<10000x128xf32, #tpu.memory_space<hbm>>
      %dma_start3A_291 = tpu.memref_slice %arg11[%dma_start3A_282] : memref<5x!tpu.dma_semaphore, #tpu.memory_space<semaphore_mem>> -> memref<1x!tpu.dma_semaphore, #tpu.memory_space<semaphore_mem>>
      %dma_start3A_292 = tpu.memref_squeeze %dma_start3A_291 : memref<1x!tpu.dma_semaphore, #tpu.memory_space<semaphore_mem>> -> memref<!tpu.dma_semaphore, #tpu.memory_space<semaphore_mem>>
      tpu.enqueue_indirect_dma source(%dma_start3A_290 : memref<10000x128xf32, #tpu.memory_space<hbm>>) target(%dma_start3A_286 : memref<40x128xf32, #tpu.memory_space<vmem>>) offsets(%dma_start3A_287 : memref<40xi32, #tpu.memory_space<vmem>>) semaphore(%dma_start3A_292 : memref<!tpu.dma_semaphore, #tpu.memory_space<semaphore_mem>>) {add = true}
      %mul3A_293 = arith.constant 5 : i32
      %mul3A_294 = arith.muli %scan3A_89, %mul3A_293 : i32
      %add3A_295 = arith.constant 3 : i32
      %add3A_296 = arith.addi %mul3A_294, %add3A_295 : i32
      %mul3A_297 = arith.constant 40 : i32
      %mul3A_298 = arith.muli %add3A_296, %mul3A_297 : i32
      %dma_wait3A_299 = arith.constant 3 : i32
      %dma_wait3A_300 = arith.constant 3 : i32
      %dma_wait3A_301 = arith.constant 0 : i32
      %dma_wait3A_302 = arith.constant 0 : i32
      %dma_wait3A_303 = tpu.memref_slice %arg9[%dma_wait3A_299, %dma_wait3A_301, %dma_wait3A_302] : memref<5x40x128xf32, #tpu.memory_space<vmem>> -> memref<1x40x128xf32, #tpu.memory_space<vmem>>
      %dma_wait3A_304 = tpu.memref_squeeze %dma_wait3A_303 : memref<1x40x128xf32, #tpu.memory_space<vmem>> -> memref<40x128xf32, #tpu.memory_space<vmem>>
      %dma_wait3A_305 = tpu.memref_slice %arg7[%mul3A_162] : memref<10000xi32, #tpu.memory_space<vmem>> -> memref<40xi32, #tpu.memory_space<vmem>>
      %dma_wait3A_306 = arith.constant 0 : i32
      %dma_wait3A_307 = arith.constant 0 : i32
      %dma_wait3A_308 = tpu.memref_slice %arg10[%dma_wait3A_306, %dma_wait3A_307] : memref<10000x128xf32, #tpu.memory_space<vmem_shared>> -> memref<10000x128xf32, #tpu.memory_space<vmem_shared>>
      %dma_wait3A_309 = tpu.memref_slice %arg11[%dma_wait3A_300] : memref<5x!tpu.dma_semaphore, #tpu.memory_space<semaphore_mem>> -> memref<1x!tpu.dma_semaphore, #tpu.memory_space<semaphore_mem>>
      %dma_wait3A_310 = tpu.memref_squeeze %dma_wait3A_309 : memref<1x!tpu.dma_semaphore, #tpu.memory_space<semaphore_mem>> -> memref<!tpu.dma_semaphore, #tpu.memory_space<semaphore_mem>>
      tpu.wait_indirect_dma semaphore(%dma_wait3A_310 : memref<!tpu.dma_semaphore, #tpu.memory_space<semaphore_mem>>) src(%dma_wait3A_308 : memref<10000x128xf32, #tpu.memory_space<vmem_shared>>) dst(%dma_wait3A_304 : memref<40x128xf32, #tpu.memory_space<vmem>>)
      %dma_start3A_311 = arith.constant 3 : i32
      %dma_start3A_312 = arith.constant 3 : i32
      %dma_start3A_313 = arith.constant 0 : i32
      %dma_start3A_314 = arith.constant 0 : i32
      %dma_start3A_315 = tpu.memref_slice %arg9[%dma_start3A_311, %dma_start3A_313, %dma_start3A_314] : memref<5x40x128xf32, #tpu.memory_space<vmem>> -> memref<1x40x128xf32, #tpu.memory_space<vmem>>
      %dma_start3A_316 = tpu.memref_squeeze %dma_start3A_315 : memref<1x40x128xf32, #tpu.memory_space<vmem>> -> memref<40x128xf32, #tpu.memory_space<vmem>>
      %dma_start3A_317 = tpu.memref_slice %arg8[%mul3A_298] : memref<10000xi32, #tpu.memory_space<vmem>> -> memref<40xi32, #tpu.memory_space<vmem>>
      %dma_start3A_318 = arith.constant 0 : i32
      %dma_start3A_319 = arith.constant 0 : i32
      %dma_start3A_320 = tpu.memref_slice %arg3[%dma_start3A_318, %dma_start3A_319] : memref<10000x128xf32, #tpu.memory_space<hbm>> -> memref<10000x128xf32, #tpu.memory_space<hbm>>
      %dma_start3A_321 = tpu.memref_slice %arg11[%dma_start3A_312] : memref<5x!tpu.dma_semaphore, #tpu.memory_space<semaphore_mem>> -> memref<1x!tpu.dma_semaphore, #tpu.memory_space<semaphore_mem>>
      %dma_start3A_322 = tpu.memref_squeeze %dma_start3A_321 : memref<1x!tpu.dma_semaphore, #tpu.memory_space<semaphore_mem>> -> memref<!tpu.dma_semaphore, #tpu.memory_space<semaphore_mem>>
      tpu.enqueue_indirect_dma source(%dma_start3A_320 : memref<10000x128xf32, #tpu.memory_space<hbm>>) target(%dma_start3A_316 : memref<40x128xf32, #tpu.memory_space<vmem>>) offsets(%dma_start3A_317 : memref<40xi32, #tpu.memory_space<vmem>>) semaphore(%dma_start3A_322 : memref<!tpu.dma_semaphore, #tpu.memory_space<semaphore_mem>>) {add = true}
      %mul3A_323 = arith.constant 5 : i32
      %mul3A_324 = arith.muli %scan3A_89, %mul3A_323 : i32
      %add3A_325 = arith.constant 4 : i32
      %add3A_326 = arith.addi %mul3A_324, %add3A_325 : i32
      %mul3A_327 = arith.constant 40 : i32
      %mul3A_328 = arith.muli %add3A_326, %mul3A_327 : i32
      %dma_wait3A_329 = arith.constant 4 : i32
      %dma_wait3A_330 = arith.constant 4 : i32
      %dma_wait3A_331 = arith.constant 0 : i32
      %dma_wait3A_332 = arith.constant 0 : i32
      %dma_wait3A_333 = tpu.memref_slice %arg9[%dma_wait3A_329, %dma_wait3A_331, %dma_wait3A_332] : memref<5x40x128xf32, #tpu.memory_space<vmem>> -> memref<1x40x128xf32, #tpu.memory_space<vmem>>
      %dma_wait3A_334 = tpu.memref_squeeze %dma_wait3A_333 : memref<1x40x128xf32, #tpu.memory_space<vmem>> -> memref<40x128xf32, #tpu.memory_space<vmem>>
      %dma_wait3A_335 = tpu.memref_slice %arg7[%mul3A_185] : memref<10000xi32, #tpu.memory_space<vmem>> -> memref<40xi32, #tpu.memory_space<vmem>>
      %dma_wait3A_336 = arith.constant 0 : i32
      %dma_wait3A_337 = arith.constant 0 : i32
      %dma_wait3A_338 = tpu.memref_slice %arg10[%dma_wait3A_336, %dma_wait3A_337] : memref<10000x128xf32, #tpu.memory_space<vmem_shared>> -> memref<10000x128xf32, #tpu.memory_space<vmem_shared>>
      %dma_wait3A_339 = tpu.memref_slice %arg11[%dma_wait3A_330] : memref<5x!tpu.dma_semaphore, #tpu.memory_space<semaphore_mem>> -> memref<1x!tpu.dma_semaphore, #tpu.memory_space<semaphore_mem>>
      %dma_wait3A_340 = tpu.memref_squeeze %dma_wait3A_339 : memref<1x!tpu.dma_semaphore, #tpu.memory_space<semaphore_mem>> -> memref<!tpu.dma_semaphore, #tpu.memory_space<semaphore_mem>>
      tpu.wait_indirect_dma semaphore(%dma_wait3A_340 : memref<!tpu.dma_semaphore, #tpu.memory_space<semaphore_mem>>) src(%dma_wait3A_338 : memref<10000x128xf32, #tpu.memory_space<vmem_shared>>) dst(%dma_wait3A_334 : memref<40x128xf32, #tpu.memory_space<vmem>>)
      %dma_start3A_341 = arith.constant 4 : i32
      %dma_start3A_342 = arith.constant 4 : i32
      %dma_start3A_343 = arith.constant 0 : i32
      %dma_start3A_344 = arith.constant 0 : i32
      %dma_start3A_345 = tpu.memref_slice %arg9[%dma_start3A_341, %dma_start3A_343, %dma_start3A_344] : memref<5x40x128xf32, #tpu.memory_space<vmem>> -> memref<1x40x128xf32, #tpu.memory_space<vmem>>
      %dma_start3A_346 = tpu.memref_squeeze %dma_start3A_345 : memref<1x40x128xf32, #tpu.memory_space<vmem>> -> memref<40x128xf32, #tpu.memory_space<vmem>>
      %dma_start3A_347 = tpu.memref_slice %arg8[%mul3A_328] : memref<10000xi32, #tpu.memory_space<vmem>> -> memref<40xi32, #tpu.memory_space<vmem>>
      %dma_start3A_348 = arith.constant 0 : i32
      %dma_start3A_349 = arith.constant 0 : i32
      %dma_start3A_350 = tpu.memref_slice %arg3[%dma_start3A_348, %dma_start3A_349] : memref<10000x128xf32, #tpu.memory_space<hbm>> -> memref<10000x128xf32, #tpu.memory_space<hbm>>
      %dma_start3A_351 = tpu.memref_slice %arg11[%dma_start3A_342] : memref<5x!tpu.dma_semaphore, #tpu.memory_space<semaphore_mem>> -> memref<1x!tpu.dma_semaphore, #tpu.memory_space<semaphore_mem>>
      %dma_start3A_352 = tpu.memref_squeeze %dma_start3A_351 : memref<1x!tpu.dma_semaphore, #tpu.memory_space<semaphore_mem>> -> memref<!tpu.dma_semaphore, #tpu.memory_space<semaphore_mem>>
      tpu.enqueue_indirect_dma source(%dma_start3A_350 : memref<10000x128xf32, #tpu.memory_space<hbm>>) target(%dma_start3A_346 : memref<40x128xf32, #tpu.memory_space<vmem>>) offsets(%dma_start3A_347 : memref<40xi32, #tpu.memory_space<vmem>>) semaphore(%dma_start3A_352 : memref<!tpu.dma_semaphore, #tpu.memory_space<semaphore_mem>>) {add = true}
      %mul3A_353 = arith.constant 5 : i32
      %mul3A_354 = arith.muli %scan3A_89, %mul3A_353 : i32
      %add3A_355 = arith.constant 0 : i32
      %add3A_356 = arith.addi %mul3A_354, %add3A_355 : i32
      %mul3A_357 = arith.constant 40 : i32
      %mul3A_358 = arith.muli %add3A_356, %mul3A_357 : i32
      %dma_wait3A_359 = arith.constant 0 : i32
      %dma_wait3A_360 = arith.constant 0 : i32
      %dma_wait3A_361 = arith.constant 0 : i32
      %dma_wait3A_362 = arith.constant 0 : i32
      %dma_wait3A_363 = tpu.memref_slice %arg9[%dma_wait3A_359, %dma_wait3A_361, %dma_wait3A_362] : memref<5x40x128xf32, #tpu.memory_space<vmem>> -> memref<1x40x128xf32, #tpu.memory_space<vmem>>
      %dma_wait3A_364 = tpu.memref_squeeze %dma_wait3A_363 : memref<1x40x128xf32, #tpu.memory_space<vmem>> -> memref<40x128xf32, #tpu.memory_space<vmem>>
      %dma_wait3A_365 = tpu.memref_slice %arg8[%mul3A_208] : memref<10000xi32, #tpu.memory_space<vmem>> -> memref<40xi32, #tpu.memory_space<vmem>>
      %dma_wait3A_366 = arith.constant 0 : i32
      %dma_wait3A_367 = arith.constant 0 : i32
      %dma_wait3A_368 = tpu.memref_slice %arg3[%dma_wait3A_366, %dma_wait3A_367] : memref<10000x128xf32, #tpu.memory_space<hbm>> -> memref<10000x128xf32, #tpu.memory_space<hbm>>
      %dma_wait3A_369 = tpu.memref_slice %arg11[%dma_wait3A_360] : memref<5x!tpu.dma_semaphore, #tpu.memory_space<semaphore_mem>> -> memref<1x!tpu.dma_semaphore, #tpu.memory_space<semaphore_mem>>
      %dma_wait3A_370 = tpu.memref_squeeze %dma_wait3A_369 : memref<1x!tpu.dma_semaphore, #tpu.memory_space<semaphore_mem>> -> memref<!tpu.dma_semaphore, #tpu.memory_space<semaphore_mem>>
      tpu.wait_indirect_dma semaphore(%dma_wait3A_370 : memref<!tpu.dma_semaphore, #tpu.memory_space<semaphore_mem>>) src(%dma_wait3A_368 : memref<10000x128xf32, #tpu.memory_space<hbm>>) dst(%dma_wait3A_364 : memref<40x128xf32, #tpu.memory_space<vmem>>)
      %add3A_371 = arith.addi %mul3A_2, %mul3A_358 : i32
      %dma_start3A_372 = arith.constant 0 : i32
      %dma_start3A_373 = arith.constant 0 : i32
      %dma_start3A_374 = arith.constant 0 : i32
      %dma_start3A_375 = arith.constant 0 : i32
      %dma_start3A_376 = tpu.memref_slice %arg9[%dma_start3A_372, %dma_start3A_374, %dma_start3A_375] : memref<5x40x128xf32, #tpu.memory_space<vmem>> -> memref<1x40x128xf32, #tpu.memory_space<vmem>>
      %dma_start3A_377 = tpu.memref_squeeze %dma_start3A_376 : memref<1x40x128xf32, #tpu.memory_space<vmem>> -> memref<40x128xf32, #tpu.memory_space<vmem>>
      %dma_start3A_378 = arith.constant 0 : i32
      %dma_start3A_379 = tpu.memref_slice %arg6[%add3A_371, %dma_start3A_378] : memref<320000x128xf32, #tpu.memory_space<hbm>> -> memref<40x128xf32, #tpu.memory_space<hbm>>
      %dma_start3A_380 = tpu.memref_slice %arg11[%dma_start3A_373] : memref<5x!tpu.dma_semaphore, #tpu.memory_space<semaphore_mem>> -> memref<1x!tpu.dma_semaphore, #tpu.memory_space<semaphore_mem>>
      %dma_start3A_381 = tpu.memref_squeeze %dma_start3A_380 : memref<1x!tpu.dma_semaphore, #tpu.memory_space<semaphore_mem>> -> memref<!tpu.dma_semaphore, #tpu.memory_space<semaphore_mem>>
      %dma_start3A_382 = arith.constant 0 : i32
      %dma_start3A_383 = tpu.memref_slice %arg6[%add3A_371, %dma_start3A_382] : memref<320000x128xf32, #tpu.memory_space<hbm>> -> memref<40x128xf32, #tpu.memory_space<hbm>>
      %dma_start3A_384 = arith.constant 0 : i32
      %dma_start3A_385 = arith.constant 0 : i32
      %dma_start3A_386 = tpu.memref_slice %arg9[%dma_start3A_372, %dma_start3A_384, %dma_start3A_385] : memref<5x40x128xf32, #tpu.memory_space<vmem>> -> memref<1x40x128xf32, #tpu.memory_space<vmem>>
      %dma_start3A_387 = tpu.memref_squeeze %dma_start3A_386 : memref<1x40x128xf32, #tpu.memory_space<vmem>> -> memref<40x128xf32, #tpu.memory_space<vmem>>
      tpu.enqueue_dma source(%dma_start3A_387 : memref<40x128xf32, #tpu.memory_space<vmem>>) target(%dma_start3A_383 : memref<40x128xf32, #tpu.memory_space<hbm>>) target_semaphore(%dma_start3A_381 : memref<!tpu.dma_semaphore, #tpu.memory_space<semaphore_mem>>)
      %mul3A_388 = arith.constant 5 : i32
      %mul3A_389 = arith.muli %scan3A_89, %mul3A_388 : i32
      %add3A_390 = arith.constant 1 : i32
      %add3A_391 = arith.addi %mul3A_389, %add3A_390 : i32
      %mul3A_392 = arith.constant 40 : i32
      %mul3A_393 = arith.muli %add3A_391, %mul3A_392 : i32
      %dma_wait3A_394 = arith.constant 1 : i32
      %dma_wait3A_395 = arith.constant 1 : i32
      %dma_wait3A_396 = arith.constant 0 : i32
      %dma_wait3A_397 = arith.constant 0 : i32
      %dma_wait3A_398 = tpu.memref_slice %arg9[%dma_wait3A_394, %dma_wait3A_396, %dma_wait3A_397] : memref<5x40x128xf32, #tpu.memory_space<vmem>> -> memref<1x40x128xf32, #tpu.memory_space<vmem>>
      %dma_wait3A_399 = tpu.memref_squeeze %dma_wait3A_398 : memref<1x40x128xf32, #tpu.memory_space<vmem>> -> memref<40x128xf32, #tpu.memory_space<vmem>>
      %dma_wait3A_400 = tpu.memref_slice %arg8[%mul3A_238] : memref<10000xi32, #tpu.memory_space<vmem>> -> memref<40xi32, #tpu.memory_space<vmem>>
      %dma_wait3A_401 = arith.constant 0 : i32
      %dma_wait3A_402 = arith.constant 0 : i32
      %dma_wait3A_403 = tpu.memref_slice %arg3[%dma_wait3A_401, %dma_wait3A_402] : memref<10000x128xf32, #tpu.memory_space<hbm>> -> memref<10000x128xf32, #tpu.memory_space<hbm>>
      %dma_wait3A_404 = tpu.memref_slice %arg11[%dma_wait3A_395] : memref<5x!tpu.dma_semaphore, #tpu.memory_space<semaphore_mem>> -> memref<1x!tpu.dma_semaphore, #tpu.memory_space<semaphore_mem>>
      %dma_wait3A_405 = tpu.memref_squeeze %dma_wait3A_404 : memref<1x!tpu.dma_semaphore, #tpu.memory_space<semaphore_mem>> -> memref<!tpu.dma_semaphore, #tpu.memory_space<semaphore_mem>>
      tpu.wait_indirect_dma semaphore(%dma_wait3A_405 : memref<!tpu.dma_semaphore, #tpu.memory_space<semaphore_mem>>) src(%dma_wait3A_403 : memref<10000x128xf32, #tpu.memory_space<hbm>>) dst(%dma_wait3A_399 : memref<40x128xf32, #tpu.memory_space<vmem>>)
      %add3A_406 = arith.addi %mul3A_2, %mul3A_393 : i32
      %dma_start3A_407 = arith.constant 1 : i32
      %dma_start3A_408 = arith.constant 1 : i32
      %dma_start3A_409 = arith.constant 0 : i32
      %dma_start3A_410 = arith.constant 0 : i32
      %dma_start3A_411 = tpu.memref_slice %arg9[%dma_start3A_407, %dma_start3A_409, %dma_start3A_410] : memref<5x40x128xf32, #tpu.memory_space<vmem>> -> memref<1x40x128xf32, #tpu.memory_space<vmem>>
      %dma_start3A_412 = tpu.memref_squeeze %dma_start3A_411 : memref<1x40x128xf32, #tpu.memory_space<vmem>> -> memref<40x128xf32, #tpu.memory_space<vmem>>
      %dma_start3A_413 = arith.constant 0 : i32
      %dma_start3A_414 = tpu.memref_slice %arg6[%add3A_406, %dma_start3A_413] : memref<320000x128xf32, #tpu.memory_space<hbm>> -> memref<40x128xf32, #tpu.memory_space<hbm>>
      %dma_start3A_415 = tpu.memref_slice %arg11[%dma_start3A_408] : memref<5x!tpu.dma_semaphore, #tpu.memory_space<semaphore_mem>> -> memref<1x!tpu.dma_semaphore, #tpu.memory_space<semaphore_mem>>
      %dma_start3A_416 = tpu.memref_squeeze %dma_start3A_415 : memref<1x!tpu.dma_semaphore, #tpu.memory_space<semaphore_mem>> -> memref<!tpu.dma_semaphore, #tpu.memory_space<semaphore_mem>>
      %dma_start3A_417 = arith.constant 0 : i32
      %dma_start3A_418 = tpu.memref_slice %arg6[%add3A_406, %dma_start3A_417] : memref<320000x128xf32, #tpu.memory_space<hbm>> -> memref<40x128xf32, #tpu.memory_space<hbm>>
      %dma_start3A_419 = arith.constant 0 : i32
      %dma_start3A_420 = arith.constant 0 : i32
      %dma_start3A_421 = tpu.memref_slice %arg9[%dma_start3A_407, %dma_start3A_419, %dma_start3A_420] : memref<5x40x128xf32, #tpu.memory_space<vmem>> -> memref<1x40x128xf32, #tpu.memory_space<vmem>>
      %dma_start3A_422 = tpu.memref_squeeze %dma_start3A_421 : memref<1x40x128xf32, #tpu.memory_space<vmem>> -> memref<40x128xf32, #tpu.memory_space<vmem>>
      tpu.enqueue_dma source(%dma_start3A_422 : memref<40x128xf32, #tpu.memory_space<vmem>>) target(%dma_start3A_418 : memref<40x128xf32, #tpu.memory_space<hbm>>) target_semaphore(%dma_start3A_416 : memref<!tpu.dma_semaphore, #tpu.memory_space<semaphore_mem>>)
      %mul3A_423 = arith.constant 5 : i32
      %mul3A_424 = arith.muli %scan3A_89, %mul3A_423 : i32
      %add3A_425 = arith.constant 2 : i32
      %add3A_426 = arith.addi %mul3A_424, %add3A_425 : i32
      %mul3A_427 = arith.constant 40 : i32
      %mul3A_428 = arith.muli %add3A_426, %mul3A_427 : i32
      %dma_wait3A_429 = arith.constant 2 : i32
      %dma_wait3A_430 = arith.constant 2 : i32
      %dma_wait3A_431 = arith.constant 0 : i32
      %dma_wait3A_432 = arith.constant 0 : i32
      %dma_wait3A_433 = tpu.memref_slice %arg9[%dma_wait3A_429, %dma_wait3A_431, %dma_wait3A_432] : memref<5x40x128xf32, #tpu.memory_space<vmem>> -> memref<1x40x128xf32, #tpu.memory_space<vmem>>
      %dma_wait3A_434 = tpu.memref_squeeze %dma_wait3A_433 : memref<1x40x128xf32, #tpu.memory_space<vmem>> -> memref<40x128xf32, #tpu.memory_space<vmem>>
      %dma_wait3A_435 = tpu.memref_slice %arg8[%mul3A_268] : memref<10000xi32, #tpu.memory_space<vmem>> -> memref<40xi32, #tpu.memory_space<vmem>>
      %dma_wait3A_436 = arith.constant 0 : i32
      %dma_wait3A_437 = arith.constant 0 : i32
      %dma_wait3A_438 = tpu.memref_slice %arg3[%dma_wait3A_436, %dma_wait3A_437] : memref<10000x128xf32, #tpu.memory_space<hbm>> -> memref<10000x128xf32, #tpu.memory_space<hbm>>
      %dma_wait3A_439 = tpu.memref_slice %arg11[%dma_wait3A_430] : memref<5x!tpu.dma_semaphore, #tpu.memory_space<semaphore_mem>> -> memref<1x!tpu.dma_semaphore, #tpu.memory_space<semaphore_mem>>
      %dma_wait3A_440 = tpu.memref_squeeze %dma_wait3A_439 : memref<1x!tpu.dma_semaphore, #tpu.memory_space<semaphore_mem>> -> memref<!tpu.dma_semaphore, #tpu.memory_space<semaphore_mem>>
      tpu.wait_indirect_dma semaphore(%dma_wait3A_440 : memref<!tpu.dma_semaphore, #tpu.memory_space<semaphore_mem>>) src(%dma_wait3A_438 : memref<10000x128xf32, #tpu.memory_space<hbm>>) dst(%dma_wait3A_434 : memref<40x128xf32, #tpu.memory_space<vmem>>)
      %add3A_441 = arith.addi %mul3A_2, %mul3A_428 : i32
      %dma_start3A_442 = arith.constant 2 : i32
      %dma_start3A_443 = arith.constant 2 : i32
      %dma_start3A_444 = arith.constant 0 : i32
      %dma_start3A_445 = arith.constant 0 : i32
      %dma_start3A_446 = tpu.memref_slice %arg9[%dma_start3A_442, %dma_start3A_444, %dma_start3A_445] : memref<5x40x128xf32, #tpu.memory_space<vmem>> -> memref<1x40x128xf32, #tpu.memory_space<vmem>>
      %dma_start3A_447 = tpu.memref_squeeze %dma_start3A_446 : memref<1x40x128xf32, #tpu.memory_space<vmem>> -> memref<40x128xf32, #tpu.memory_space<vmem>>
      %dma_start3A_448 = arith.constant 0 : i32
      %dma_start3A_449 = tpu.memref_slice %arg6[%add3A_441, %dma_start3A_448] : memref<320000x128xf32, #tpu.memory_space<hbm>> -> memref<40x128xf32, #tpu.memory_space<hbm>>
      %dma_start3A_450 = tpu.memref_slice %arg11[%dma_start3A_443] : memref<5x!tpu.dma_semaphore, #tpu.memory_space<semaphore_mem>> -> memref<1x!tpu.dma_semaphore, #tpu.memory_space<semaphore_mem>>
      %dma_start3A_451 = tpu.memref_squeeze %dma_start3A_450 : memref<1x!tpu.dma_semaphore, #tpu.memory_space<semaphore_mem>> -> memref<!tpu.dma_semaphore, #tpu.memory_space<semaphore_mem>>
      %dma_start3A_452 = arith.constant 0 : i32
      %dma_start3A_453 = tpu.memref_slice %arg6[%add3A_441, %dma_start3A_452] : memref<320000x128xf32, #tpu.memory_space<hbm>> -> memref<40x128xf32, #tpu.memory_space<hbm>>
      %dma_start3A_454 = arith.constant 0 : i32
      %dma_start3A_455 = arith.constant 0 : i32
      %dma_start3A_456 = tpu.memref_slice %arg9[%dma_start3A_442, %dma_start3A_454, %dma_start3A_455] : memref<5x40x128xf32, #tpu.memory_space<vmem>> -> memref<1x40x128xf32, #tpu.memory_space<vmem>>
      %dma_start3A_457 = tpu.memref_squeeze %dma_start3A_456 : memref<1x40x128xf32, #tpu.memory_space<vmem>> -> memref<40x128xf32, #tpu.memory_space<vmem>>
      tpu.enqueue_dma source(%dma_start3A_457 : memref<40x128xf32, #tpu.memory_space<vmem>>) target(%dma_start3A_453 : memref<40x128xf32, #tpu.memory_space<hbm>>) target_semaphore(%dma_start3A_451 : memref<!tpu.dma_semaphore, #tpu.memory_space<semaphore_mem>>)
      %mul3A_458 = arith.constant 5 : i32
      %mul3A_459 = arith.muli %scan3A_89, %mul3A_458 : i32
      %add3A_460 = arith.constant 3 : i32
      %add3A_461 = arith.addi %mul3A_459, %add3A_460 : i32
      %mul3A_462 = arith.constant 40 : i32
      %mul3A_463 = arith.muli %add3A_461, %mul3A_462 : i32
      %dma_wait3A_464 = arith.constant 3 : i32
      %dma_wait3A_465 = arith.constant 3 : i32
      %dma_wait3A_466 = arith.constant 0 : i32
      %dma_wait3A_467 = arith.constant 0 : i32
      %dma_wait3A_468 = tpu.memref_slice %arg9[%dma_wait3A_464, %dma_wait3A_466, %dma_wait3A_467] : memref<5x40x128xf32, #tpu.memory_space<vmem>> -> memref<1x40x128xf32, #tpu.memory_space<vmem>>
      %dma_wait3A_469 = tpu.memref_squeeze %dma_wait3A_468 : memref<1x40x128xf32, #tpu.memory_space<vmem>> -> memref<40x128xf32, #tpu.memory_space<vmem>>
      %dma_wait3A_470 = tpu.memref_slice %arg8[%mul3A_298] : memref<10000xi32, #tpu.memory_space<vmem>> -> memref<40xi32, #tpu.memory_space<vmem>>
      %dma_wait3A_471 = arith.constant 0 : i32
      %dma_wait3A_472 = arith.constant 0 : i32
      %dma_wait3A_473 = tpu.memref_slice %arg3[%dma_wait3A_471, %dma_wait3A_472] : memref<10000x128xf32, #tpu.memory_space<hbm>> -> memref<10000x128xf32, #tpu.memory_space<hbm>>
      %dma_wait3A_474 = tpu.memref_slice %arg11[%dma_wait3A_465] : memref<5x!tpu.dma_semaphore, #tpu.memory_space<semaphore_mem>> -> memref<1x!tpu.dma_semaphore, #tpu.memory_space<semaphore_mem>>
      %dma_wait3A_475 = tpu.memref_squeeze %dma_wait3A_474 : memref<1x!tpu.dma_semaphore, #tpu.memory_space<semaphore_mem>> -> memref<!tpu.dma_semaphore, #tpu.memory_space<semaphore_mem>>
      tpu.wait_indirect_dma semaphore(%dma_wait3A_475 : memref<!tpu.dma_semaphore, #tpu.memory_space<semaphore_mem>>) src(%dma_wait3A_473 : memref<10000x128xf32, #tpu.memory_space<hbm>>) dst(%dma_wait3A_469 : memref<40x128xf32, #tpu.memory_space<vmem>>)
      %add3A_476 = arith.addi %mul3A_2, %mul3A_463 : i32
      %dma_start3A_477 = arith.constant 3 : i32
      %dma_start3A_478 = arith.constant 3 : i32
      %dma_start3A_479 = arith.constant 0 : i32
      %dma_start3A_480 = arith.constant 0 : i32
      %dma_start3A_481 = tpu.memref_slice %arg9[%dma_start3A_477, %dma_start3A_479, %dma_start3A_480] : memref<5x40x128xf32, #tpu.memory_space<vmem>> -> memref<1x40x128xf32, #tpu.memory_space<vmem>>
      %dma_start3A_482 = tpu.memref_squeeze %dma_start3A_481 : memref<1x40x128xf32, #tpu.memory_space<vmem>> -> memref<40x128xf32, #tpu.memory_space<vmem>>
      %dma_start3A_483 = arith.constant 0 : i32
      %dma_start3A_484 = tpu.memref_slice %arg6[%add3A_476, %dma_start3A_483] : memref<320000x128xf32, #tpu.memory_space<hbm>> -> memref<40x128xf32, #tpu.memory_space<hbm>>
      %dma_start3A_485 = tpu.memref_slice %arg11[%dma_start3A_478] : memref<5x!tpu.dma_semaphore, #tpu.memory_space<semaphore_mem>> -> memref<1x!tpu.dma_semaphore, #tpu.memory_space<semaphore_mem>>
      %dma_start3A_486 = tpu.memref_squeeze %dma_start3A_485 : memref<1x!tpu.dma_semaphore, #tpu.memory_space<semaphore_mem>> -> memref<!tpu.dma_semaphore, #tpu.memory_space<semaphore_mem>>
      %dma_start3A_487 = arith.constant 0 : i32
      %dma_start3A_488 = tpu.memref_slice %arg6[%add3A_476, %dma_start3A_487] : memref<320000x128xf32, #tpu.memory_space<hbm>> -> memref<40x128xf32, #tpu.memory_space<hbm>>
      %dma_start3A_489 = arith.constant 0 : i32
      %dma_start3A_490 = arith.constant 0 : i32
      %dma_start3A_491 = tpu.memref_slice %arg9[%dma_start3A_477, %dma_start3A_489, %dma_start3A_490] : memref<5x40x128xf32, #tpu.memory_space<vmem>> -> memref<1x40x128xf32, #tpu.memory_space<vmem>>
      %dma_start3A_492 = tpu.memref_squeeze %dma_start3A_491 : memref<1x40x128xf32, #tpu.memory_space<vmem>> -> memref<40x128xf32, #tpu.memory_space<vmem>>
      tpu.enqueue_dma source(%dma_start3A_492 : memref<40x128xf32, #tpu.memory_space<vmem>>) target(%dma_start3A_488 : memref<40x128xf32, #tpu.memory_space<hbm>>) target_semaphore(%dma_start3A_486 : memref<!tpu.dma_semaphore, #tpu.memory_space<semaphore_mem>>)
      %mul3A_493 = arith.constant 5 : i32
      %mul3A_494 = arith.muli %scan3A_89, %mul3A_493 : i32
      %add3A_495 = arith.constant 4 : i32
      %add3A_496 = arith.addi %mul3A_494, %add3A_495 : i32
      %mul3A_497 = arith.constant 40 : i32
      %mul3A_498 = arith.muli %add3A_496, %mul3A_497 : i32
      %dma_wait3A_499 = arith.constant 4 : i32
      %dma_wait3A_500 = arith.constant 4 : i32
      %dma_wait3A_501 = arith.constant 0 : i32
      %dma_wait3A_502 = arith.constant 0 : i32
      %dma_wait3A_503 = tpu.memref_slice %arg9[%dma_wait3A_499, %dma_wait3A_501, %dma_wait3A_502] : memref<5x40x128xf32, #tpu.memory_space<vmem>> -> memref<1x40x128xf32, #tpu.memory_space<vmem>>
      %dma_wait3A_504 = tpu.memref_squeeze %dma_wait3A_503 : memref<1x40x128xf32, #tpu.memory_space<vmem>> -> memref<40x128xf32, #tpu.memory_space<vmem>>
      %dma_wait3A_505 = tpu.memref_slice %arg8[%mul3A_328] : memref<10000xi32, #tpu.memory_space<vmem>> -> memref<40xi32, #tpu.memory_space<vmem>>
      %dma_wait3A_506 = arith.constant 0 : i32
      %dma_wait3A_507 = arith.constant 0 : i32
      %dma_wait3A_508 = tpu.memref_slice %arg3[%dma_wait3A_506, %dma_wait3A_507] : memref<10000x128xf32, #tpu.memory_space<hbm>> -> memref<10000x128xf32, #tpu.memory_space<hbm>>
      %dma_wait3A_509 = tpu.memref_slice %arg11[%dma_wait3A_500] : memref<5x!tpu.dma_semaphore, #tpu.memory_space<semaphore_mem>> -> memref<1x!tpu.dma_semaphore, #tpu.memory_space<semaphore_mem>>
      %dma_wait3A_510 = tpu.memref_squeeze %dma_wait3A_509 : memref<1x!tpu.dma_semaphore, #tpu.memory_space<semaphore_mem>> -> memref<!tpu.dma_semaphore, #tpu.memory_space<semaphore_mem>>
      tpu.wait_indirect_dma semaphore(%dma_wait3A_510 : memref<!tpu.dma_semaphore, #tpu.memory_space<semaphore_mem>>) src(%dma_wait3A_508 : memref<10000x128xf32, #tpu.memory_space<hbm>>) dst(%dma_wait3A_504 : memref<40x128xf32, #tpu.memory_space<vmem>>)
      %add3A_511 = arith.addi %mul3A_2, %mul3A_498 : i32
      %dma_start3A_512 = arith.constant 4 : i32
      %dma_start3A_513 = arith.constant 4 : i32
      %dma_start3A_514 = arith.constant 0 : i32
      %dma_start3A_515 = arith.constant 0 : i32
      %dma_start3A_516 = tpu.memref_slice %arg9[%dma_start3A_512, %dma_start3A_514, %dma_start3A_515] : memref<5x40x128xf32, #tpu.memory_space<vmem>> -> memref<1x40x128xf32, #tpu.memory_space<vmem>>
      %dma_start3A_517 = tpu.memref_squeeze %dma_start3A_516 : memref<1x40x128xf32, #tpu.memory_space<vmem>> -> memref<40x128xf32, #tpu.memory_space<vmem>>
      %dma_start3A_518 = arith.constant 0 : i32
      %dma_start3A_519 = tpu.memref_slice %arg6[%add3A_511, %dma_start3A_518] : memref<320000x128xf32, #tpu.memory_space<hbm>> -> memref<40x128xf32, #tpu.memory_space<hbm>>
      %dma_start3A_520 = tpu.memref_slice %arg11[%dma_start3A_513] : memref<5x!tpu.dma_semaphore, #tpu.memory_space<semaphore_mem>> -> memref<1x!tpu.dma_semaphore, #tpu.memory_space<semaphore_mem>>
      %dma_start3A_521 = tpu.memref_squeeze %dma_start3A_520 : memref<1x!tpu.dma_semaphore, #tpu.memory_space<semaphore_mem>> -> memref<!tpu.dma_semaphore, #tpu.memory_space<semaphore_mem>>
      %dma_start3A_522 = arith.constant 0 : i32
      %dma_start3A_523 = tpu.memref_slice %arg6[%add3A_511, %dma_start3A_522] : memref<320000x128xf32, #tpu.memory_space<hbm>> -> memref<40x128xf32, #tpu.memory_space<hbm>>
      %dma_start3A_524 = arith.constant 0 : i32
      %dma_start3A_525 = arith.constant 0 : i32
      %dma_start3A_526 = tpu.memref_slice %arg9[%dma_start3A_512, %dma_start3A_524, %dma_start3A_525] : memref<5x40x128xf32, #tpu.memory_space<vmem>> -> memref<1x40x128xf32, #tpu.memory_space<vmem>>
      %dma_start3A_527 = tpu.memref_squeeze %dma_start3A_526 : memref<1x40x128xf32, #tpu.memory_space<vmem>> -> memref<40x128xf32, #tpu.memory_space<vmem>>
      tpu.enqueue_dma source(%dma_start3A_527 : memref<40x128xf32, #tpu.memory_space<vmem>>) target(%dma_start3A_523 : memref<40x128xf32, #tpu.memory_space<hbm>>) target_semaphore(%dma_start3A_521 : memref<!tpu.dma_semaphore, #tpu.memory_space<semaphore_mem>>)
    }
    %scan3A_9 = arith.constant 50 : i32
    %dma_wait3A = arith.constant 0 : i32
    %dma_wait3A_10 = arith.constant 0 : i32
    %dma_wait3A_11 = arith.constant 0 : i32
    %dma_wait3A_12 = arith.constant 0 : i32
    %dma_wait3A_13 = tpu.memref_slice %arg9[%dma_wait3A, %dma_wait3A_11, %dma_wait3A_12] : memref<5x40x128xf32, #tpu.memory_space<vmem>> -> memref<1x40x128xf32, #tpu.memory_space<vmem>>
    %dma_wait3A_14 = tpu.memref_squeeze %dma_wait3A_13 : memref<1x40x128xf32, #tpu.memory_space<vmem>> -> memref<40x128xf32, #tpu.memory_space<vmem>>
    %dma_wait3A_15 = arith.constant 0 : i32
    %dma_wait3A_16 = tpu.memref_slice %arg6[%mul3A_2, %dma_wait3A_15] : memref<320000x128xf32, #tpu.memory_space<hbm>> -> memref<40x128xf32, #tpu.memory_space<hbm>>
    %dma_wait3A_17 = tpu.memref_slice %arg11[%dma_wait3A_10] : memref<5x!tpu.dma_semaphore, #tpu.memory_space<semaphore_mem>> -> memref<1x!tpu.dma_semaphore, #tpu.memory_space<semaphore_mem>>
    %dma_wait3A_18 = tpu.memref_squeeze %dma_wait3A_17 : memref<1x!tpu.dma_semaphore, #tpu.memory_space<semaphore_mem>> -> memref<!tpu.dma_semaphore, #tpu.memory_space<semaphore_mem>>
    %dma_wait3A_19 = arith.constant 0 : i32
    %dma_wait3A_20 = arith.constant 0 : i32
    %dma_wait3A_21 = tpu.memref_slice %arg9[%dma_wait3A, %dma_wait3A_19, %dma_wait3A_20] : memref<5x40x128xf32, #tpu.memory_space<vmem>> -> memref<1x40x128xf32, #tpu.memory_space<vmem>>
    %dma_wait3A_22 = tpu.memref_squeeze %dma_wait3A_21 : memref<1x40x128xf32, #tpu.memory_space<vmem>> -> memref<40x128xf32, #tpu.memory_space<vmem>>
    %dma_wait3A_23 = arith.constant 0 : i32
    %dma_wait3A_24 = tpu.memref_slice %arg6[%mul3A_2, %dma_wait3A_23] : memref<320000x128xf32, #tpu.memory_space<hbm>> -> memref<40x128xf32, #tpu.memory_space<hbm>>
    tpu.wait_dma2 semaphore(%dma_wait3A_18 : memref<!tpu.dma_semaphore, #tpu.memory_space<semaphore_mem>>) src(%dma_wait3A_24 : memref<40x128xf32, #tpu.memory_space<hbm>>) dst(%dma_wait3A_22 : memref<40x128xf32, #tpu.memory_space<vmem>>)
    %dma_wait3A_25 = arith.constant 1 : i32
    %dma_wait3A_26 = arith.constant 1 : i32
    %dma_wait3A_27 = arith.constant 0 : i32
    %dma_wait3A_28 = arith.constant 0 : i32
    %dma_wait3A_29 = tpu.memref_slice %arg9[%dma_wait3A_25, %dma_wait3A_27, %dma_wait3A_28] : memref<5x40x128xf32, #tpu.memory_space<vmem>> -> memref<1x40x128xf32, #tpu.memory_space<vmem>>
    %dma_wait3A_30 = tpu.memref_squeeze %dma_wait3A_29 : memref<1x40x128xf32, #tpu.memory_space<vmem>> -> memref<40x128xf32, #tpu.memory_space<vmem>>
    %dma_wait3A_31 = arith.constant 0 : i32
    %dma_wait3A_32 = tpu.memref_slice %arg6[%mul3A_2, %dma_wait3A_31] : memref<320000x128xf32, #tpu.memory_space<hbm>> -> memref<40x128xf32, #tpu.memory_space<hbm>>
    %dma_wait3A_33 = tpu.memref_slice %arg11[%dma_wait3A_26] : memref<5x!tpu.dma_semaphore, #tpu.memory_space<semaphore_mem>> -> memref<1x!tpu.dma_semaphore, #tpu.memory_space<semaphore_mem>>
    %dma_wait3A_34 = tpu.memref_squeeze %dma_wait3A_33 : memref<1x!tpu.dma_semaphore, #tpu.memory_space<semaphore_mem>> -> memref<!tpu.dma_semaphore, #tpu.memory_space<semaphore_mem>>
    %dma_wait3A_35 = arith.constant 0 : i32
    %dma_wait3A_36 = arith.constant 0 : i32
    %dma_wait3A_37 = tpu.memref_slice %arg9[%dma_wait3A_25, %dma_wait3A_35, %dma_wait3A_36] : memref<5x40x128xf32, #tpu.memory_space<vmem>> -> memref<1x40x128xf32, #tpu.memory_space<vmem>>
    %dma_wait3A_38 = tpu.memref_squeeze %dma_wait3A_37 : memref<1x40x128xf32, #tpu.memory_space<vmem>> -> memref<40x128xf32, #tpu.memory_space<vmem>>
    %dma_wait3A_39 = arith.constant 0 : i32
    %dma_wait3A_40 = tpu.memref_slice %arg6[%mul3A_2, %dma_wait3A_39] : memref<320000x128xf32, #tpu.memory_space<hbm>> -> memref<40x128xf32, #tpu.memory_space<hbm>>
    tpu.wait_dma2 semaphore(%dma_wait3A_34 : memref<!tpu.dma_semaphore, #tpu.memory_space<semaphore_mem>>) src(%dma_wait3A_40 : memref<40x128xf32, #tpu.memory_space<hbm>>) dst(%dma_wait3A_38 : memref<40x128xf32, #tpu.memory_space<vmem>>)
    %dma_wait3A_41 = arith.constant 2 : i32
    %dma_wait3A_42 = arith.constant 2 : i32
    %dma_wait3A_43 = arith.constant 0 : i32
    %dma_wait3A_44 = arith.constant 0 : i32
    %dma_wait3A_45 = tpu.memref_slice %arg9[%dma_wait3A_41, %dma_wait3A_43, %dma_wait3A_44] : memref<5x40x128xf32, #tpu.memory_space<vmem>> -> memref<1x40x128xf32, #tpu.memory_space<vmem>>
    %dma_wait3A_46 = tpu.memref_squeeze %dma_wait3A_45 : memref<1x40x128xf32, #tpu.memory_space<vmem>> -> memref<40x128xf32, #tpu.memory_space<vmem>>
    %dma_wait3A_47 = arith.constant 0 : i32
    %dma_wait3A_48 = tpu.memref_slice %arg6[%mul3A_2, %dma_wait3A_47] : memref<320000x128xf32, #tpu.memory_space<hbm>> -> memref<40x128xf32, #tpu.memory_space<hbm>>
    %dma_wait3A_49 = tpu.memref_slice %arg11[%dma_wait3A_42] : memref<5x!tpu.dma_semaphore, #tpu.memory_space<semaphore_mem>> -> memref<1x!tpu.dma_semaphore, #tpu.memory_space<semaphore_mem>>
    %dma_wait3A_50 = tpu.memref_squeeze %dma_wait3A_49 : memref<1x!tpu.dma_semaphore, #tpu.memory_space<semaphore_mem>> -> memref<!tpu.dma_semaphore, #tpu.memory_space<semaphore_mem>>
    %dma_wait3A_51 = arith.constant 0 : i32
    %dma_wait3A_52 = arith.constant 0 : i32
    %dma_wait3A_53 = tpu.memref_slice %arg9[%dma_wait3A_41, %dma_wait3A_51, %dma_wait3A_52] : memref<5x40x128xf32, #tpu.memory_space<vmem>> -> memref<1x40x128xf32, #tpu.memory_space<vmem>>
    %dma_wait3A_54 = tpu.memref_squeeze %dma_wait3A_53 : memref<1x40x128xf32, #tpu.memory_space<vmem>> -> memref<40x128xf32, #tpu.memory_space<vmem>>
    %dma_wait3A_55 = arith.constant 0 : i32
    %dma_wait3A_56 = tpu.memref_slice %arg6[%mul3A_2, %dma_wait3A_55] : memref<320000x128xf32, #tpu.memory_space<hbm>> -> memref<40x128xf32, #tpu.memory_space<hbm>>
    tpu.wait_dma2 semaphore(%dma_wait3A_50 : memref<!tpu.dma_semaphore, #tpu.memory_space<semaphore_mem>>) src(%dma_wait3A_56 : memref<40x128xf32, #tpu.memory_space<hbm>>) dst(%dma_wait3A_54 : memref<40x128xf32, #tpu.memory_space<vmem>>)
    %dma_wait3A_57 = arith.constant 3 : i32
    %dma_wait3A_58 = arith.constant 3 : i32
    %dma_wait3A_59 = arith.constant 0 : i32
    %dma_wait3A_60 = arith.constant 0 : i32
    %dma_wait3A_61 = tpu.memref_slice %arg9[%dma_wait3A_57, %dma_wait3A_59, %dma_wait3A_60] : memref<5x40x128xf32, #tpu.memory_space<vmem>> -> memref<1x40x128xf32, #tpu.memory_space<vmem>>
    %dma_wait3A_62 = tpu.memref_squeeze %dma_wait3A_61 : memref<1x40x128xf32, #tpu.memory_space<vmem>> -> memref<40x128xf32, #tpu.memory_space<vmem>>
    %dma_wait3A_63 = arith.constant 0 : i32
    %dma_wait3A_64 = tpu.memref_slice %arg6[%mul3A_2, %dma_wait3A_63] : memref<320000x128xf32, #tpu.memory_space<hbm>> -> memref<40x128xf32, #tpu.memory_space<hbm>>
    %dma_wait3A_65 = tpu.memref_slice %arg11[%dma_wait3A_58] : memref<5x!tpu.dma_semaphore, #tpu.memory_space<semaphore_mem>> -> memref<1x!tpu.dma_semaphore, #tpu.memory_space<semaphore_mem>>
    %dma_wait3A_66 = tpu.memref_squeeze %dma_wait3A_65 : memref<1x!tpu.dma_semaphore, #tpu.memory_space<semaphore_mem>> -> memref<!tpu.dma_semaphore, #tpu.memory_space<semaphore_mem>>
    %dma_wait3A_67 = arith.constant 0 : i32
    %dma_wait3A_68 = arith.constant 0 : i32
    %dma_wait3A_69 = tpu.memref_slice %arg9[%dma_wait3A_57, %dma_wait3A_67, %dma_wait3A_68] : memref<5x40x128xf32, #tpu.memory_space<vmem>> -> memref<1x40x128xf32, #tpu.memory_space<vmem>>
    %dma_wait3A_70 = tpu.memref_squeeze %dma_wait3A_69 : memref<1x40x128xf32, #tpu.memory_space<vmem>> -> memref<40x128xf32, #tpu.memory_space<vmem>>
    %dma_wait3A_71 = arith.constant 0 : i32
    %dma_wait3A_72 = tpu.memref_slice %arg6[%mul3A_2, %dma_wait3A_71] : memref<320000x128xf32, #tpu.memory_space<hbm>> -> memref<40x128xf32, #tpu.memory_space<hbm>>
    tpu.wait_dma2 semaphore(%dma_wait3A_66 : memref<!tpu.dma_semaphore, #tpu.memory_space<semaphore_mem>>) src(%dma_wait3A_72 : memref<40x128xf32, #tpu.memory_space<hbm>>) dst(%dma_wait3A_70 : memref<40x128xf32, #tpu.memory_space<vmem>>)
    %dma_wait3A_73 = arith.constant 4 : i32
    %dma_wait3A_74 = arith.constant 4 : i32
    %dma_wait3A_75 = arith.constant 0 : i32
    %dma_wait3A_76 = arith.constant 0 : i32
    %dma_wait3A_77 = tpu.memref_slice %arg9[%dma_wait3A_73, %dma_wait3A_75, %dma_wait3A_76] : memref<5x40x128xf32, #tpu.memory_space<vmem>> -> memref<1x40x128xf32, #tpu.memory_space<vmem>>
    %dma_wait3A_78 = tpu.memref_squeeze %dma_wait3A_77 : memref<1x40x128xf32, #tpu.memory_space<vmem>> -> memref<40x128xf32, #tpu.memory_space<vmem>>
    %dma_wait3A_79 = arith.constant 0 : i32
    %dma_wait3A_80 = tpu.memref_slice %arg6[%mul3A_2, %dma_wait3A_79] : memref<320000x128xf32, #tpu.memory_space<hbm>> -> memref<40x128xf32, #tpu.memory_space<hbm>>
    %dma_wait3A_81 = tpu.memref_slice %arg11[%dma_wait3A_74] : memref<5x!tpu.dma_semaphore, #tpu.memory_space<semaphore_mem>> -> memref<1x!tpu.dma_semaphore, #tpu.memory_space<semaphore_mem>>
    %dma_wait3A_82 = tpu.memref_squeeze %dma_wait3A_81 : memref<1x!tpu.dma_semaphore, #tpu.memory_space<semaphore_mem>> -> memref<!tpu.dma_semaphore, #tpu.memory_space<semaphore_mem>>
    %dma_wait3A_83 = arith.constant 0 : i32
    %dma_wait3A_84 = arith.constant 0 : i32
    %dma_wait3A_85 = tpu.memref_slice %arg9[%dma_wait3A_73, %dma_wait3A_83, %dma_wait3A_84] : memref<5x40x128xf32, #tpu.memory_space<vmem>> -> memref<1x40x128xf32, #tpu.memory_space<vmem>>
    %dma_wait3A_86 = tpu.memref_squeeze %dma_wait3A_85 : memref<1x40x128xf32, #tpu.memory_space<vmem>> -> memref<40x128xf32, #tpu.memory_space<vmem>>
    %dma_wait3A_87 = arith.constant 0 : i32
    %dma_wait3A_88 = tpu.memref_slice %arg6[%mul3A_2, %dma_wait3A_87] : memref<320000x128xf32, #tpu.memory_space<hbm>> -> memref<40x128xf32, #tpu.memory_space<hbm>>
    tpu.wait_dma2 semaphore(%dma_wait3A_82 : memref<!tpu.dma_semaphore, #tpu.memory_space<semaphore_mem>>) src(%dma_wait3A_88 : memref<40x128xf32, #tpu.memory_space<hbm>>) dst(%dma_wait3A_86 : memref<40x128xf32, #tpu.memory_space<vmem>>)
    return
  }
}

module attributes {stable_mosaic.version = 14 : i64} {
  func.func @_node_matmul_kernel(%arg0: memref<10000x128xf32, #tpu.memory_space<vmem>>, %arg1: memref<128x128xf32, #tpu.memory_space<vmem>>, %arg2: memref<128x128xf32, #tpu.memory_space<vmem>>, %arg3: memref<1x128xf32, #tpu.memory_space<vmem>>, %arg4: memref<10000x128xf32, #tpu.memory_space<vmem>>, %arg5: memref<10000x128xf32, #tpu.memory_space<vmem>>) attributes {dimension_semantics = [], scalar_prefetch = 0 : i64, scratch_operands = 0 : i64, tpu.core_type = #tpu.core_type<tc>} {
    %get3A = arith.constant 0 : index
    %get3A_0 = arith.constant 0 : index
    %get3A_1 = vector.load %arg0[%get3A, %get3A_0] : memref<10000x128xf32, #tpu.memory_space<vmem>>, vector<10000x128xf32>
    %get3A_2 = arith.constant 0 : index
    %get3A_3 = arith.constant 0 : index
    %get3A_4 = vector.load %arg1[%get3A_2, %get3A_3] : memref<128x128xf32, #tpu.memory_space<vmem>>, vector<128x128xf32>
    %dot_general3A = arith.constant dense<0.000000e+00> : vector<10000x128xf32>
    %dot_general3A_5 = tpu.matmul %get3A_1, %get3A_4, %dot_general3A {dimension_numbers = #tpu.dot_dimension_numbers<[1], [0], [0], [1], [0, 0, 1, 1], [], []>, transpose_lhs_hint = false} : vector<10000x128xf32>, vector<128x128xf32>, vector<10000x128xf32> -> vector<10000x128xf32>
    %swap3A = arith.constant 0 : index
    %swap3A_6 = arith.constant 0 : index
    %swap3A_7 = vector.load %arg4[%swap3A, %swap3A_6] : memref<10000x128xf32, #tpu.memory_space<vmem>>, vector<10000x128xf32>
    tpu.vector_store %arg4[%swap3A, %swap3A_6], %dot_general3A_5 {strides = array<i32>} : memref<10000x128xf32, #tpu.memory_space<vmem>>, vector<10000x128xf32>,
    %get3A_8 = arith.constant 0 : index
    %get3A_9 = arith.constant 0 : index
    %get3A_10 = vector.load %arg2[%get3A_8, %get3A_9] : memref<128x128xf32, #tpu.memory_space<vmem>>, vector<128x128xf32>
    %dot_general3A_11 = arith.constant dense<0.000000e+00> : vector<10000x128xf32>
    %dot_general3A_12 = tpu.matmul %get3A_1, %get3A_10, %dot_general3A_11 {dimension_numbers = #tpu.dot_dimension_numbers<[1], [0], [0], [1], [0, 0, 1, 1], [], []>, transpose_lhs_hint = false} : vector<10000x128xf32>, vector<128x128xf32>, vector<10000x128xf32> -> vector<10000x128xf32>
    %get3A_13 = arith.constant 0 : index
    %get3A_14 = arith.constant 0 : index
    %get3A_15 = vector.load %arg3[%get3A_13, %get3A_14] : memref<1x128xf32, #tpu.memory_space<vmem>>, vector<1x128xf32>
    %add3A = vector.broadcast %get3A_15 : vector<1x128xf32> to vector<10000x128xf32>
    %add3A_16 = arith.addf %dot_general3A_12, %add3A : vector<10000x128xf32>
    %swap3A_17 = arith.constant 0 : index
    %swap3A_18 = arith.constant 0 : index
    %swap3A_19 = vector.load %arg5[%swap3A_17, %swap3A_18] : memref<10000x128xf32, #tpu.memory_space<vmem>>, vector<10000x128xf32>
    tpu.vector_store %arg5[%swap3A_17, %swap3A_18], %add3A_16 {strides = array<i32>} : memref<10000x128xf32, #tpu.memory_space<vmem>>, vector<10000x128xf32>,
    return
  }
}

</mosaic_0001>

<sc_bundles>
// kernel: kernel.4.cloned.1.call-start
scs
__scs_entry_jumppad:
0x0: {  	(pc) =	sbr.rel $0x88, $3  }
0x1: {  	(tag) =	ssettag $0x0;
	lr =	simm.s32 $0x1  }
0x2: {  	[smem:$0x3F9D] =	sst lr;
	_ =	strace $0xD0000000  }
0x3: {  	_ = 	snop  }
0x4: {  	_ = 	snop  }
0x5: {  	_ = 	snop  }
0x6: {  	_ = 	snop  }
0x7: {  	_ = 	snop  }
__scs_overlays_trampoline_lowered:
0x8: {  	[smem:$0x3FAC] =	sst s0  }
0x9: {  	[smem:$0x3FAD] =	sst s1  }
0xa: {  	[smem:$0x3FAE] =	sst s2  }
0xb: {  	[smem:$0x3FAF] =	sst s3  }
0xc: {  	[smem:$0x3FB0] =	sst s4  }
0xd: {  	[smem:$0x3FB1] =	sst s5  }
0xe: {  	[smem:$0x3FB2] =	sst s6  }
0xf: {  	[smem:$0x3FB3] =	sst s7  }
0x10: {  	[smem:$0x3FB4] =	sst s8  }
0x11: {  	[smem:$0x3FB5] =	sst s9;
	s0 =	simm.s32 @!p0 $0x0  }
0x12: {  	s1 =	sld [smem:$0x3F9B];
	s0 =	simm.s32 @p0 $0x1  }
0x13: {  	[smem:$0x3FB6] =	sst s0;
	s0 =	simm.s32 @!p1 $0x0  }
0x14: {  	s2 =	sld [smem:$0x3F9A];
	s0 =	simm.s32 @p1 $0x1  }
0x15: {  	[smem:$0x3FB7] =	sst s0;
	s0 =	simm.s32 @!p2 $0x0  }
0x16: {  	s3 =	sld [smem:$0x3FDB];
	s0 =	simm.s32 @p2 $0x1  }
0x17: {  	s4 =	simm.s32 $0x1BF5;
	[smem:$0x3FB9] =	sst s0  }
0x18: {  	s0 =	sld [smem:$0x3F9C];
	_ =	swait.ge [sflag:s4], $0x0  }
0x19: {  	s7 =	sld [smem:$0x3F9D]  }
0x1a: {  	s8 =	sadd.s32 $0xFFFFE003, lr  }
0x1b: {  	s9 =	sadd.s32 $0xFFFFFEF7, lr;
	s5 =	simm.s32 $0xFFFFFFFF;
	p2 =	slt.u32 s8, $0xFFFFF086  }
0x1c: {  	p1 =	slt.u32 s9, $0xF7A;
	s5 =	simm.s32 @!p2 $0x0  }
0x1d: {  	s5 =	simm.s32 @p1 $0x1;
	p0 =	seq.s32 s7, s2  }
0x1e: {  	s7 =	smul.u32 @!p0 $0xF7A, s2;
	p2 =	seq.s32 @!p0 s5, $0x0  }
0x1f: {  	s9 =	smul.u32 $0xF7A, s1;
	s8 =	simm.s32 @!p0 $0x1BF5;
	p2 =	por !p2, p0  }
0x20: {  	[sflag:s8] =	ssyncset.s32 @!p0 $0xFFFFF086;
	s6 =	sadd.s32 @!p0 s3, s7;
	s7 =	simm.s32 @!p0 $0x108  }
0x21: {  	s3 =	sadd.s32 s3, s9;
	s6 =	sadd.s32 @!p0 $0x88, s6;
	s7 =	simm.s32 @p2 $0x1082  }
0x22: {  	[simem:s7], [sflag:s8] =	dma.local @!p0 [hbm:s6], $0xF7A  }
0x23: {  	s9 =	sor.u32 $0xD0000000, s2;
	s6 =	simm.s32 $0x108;
	_ =	swait.ge @!p0 [sflag:s8], $0x0  }
0x24: {  	s3 =	sadd.s32 $0x88, s3;
	s6 =	simm.s32 @!p1 $0x1082;
	[sflag:s4] =	ssyncset.s32 $0xFFFFF086  }
0x25: {  	[simem:s6], [sflag:s4] =	dma.local [hbm:s3], $0xF7A  }
0x26: {  	[smem:$0x3F9D] =	sst s1;
	(tag) =	ssettag s2;
	_ =	strace s9  }
0x27: {  	s1 =	sld [smem:$0x3FAD]  }
0x28: {  	s2 =	sld [smem:$0x3FAE]  }
0x29: {  	s4 =	sld [smem:$0x3FB0]  }
0x2a: {  	p0 =	seq.s32 s5, $0x0;
	s5 =	sld [smem:$0x3FB1]  }
0x2b: {  	s6 =	sld [smem:$0x3FB2]  }
0x2c: {  	s7 =	sld [smem:$0x3FB3]  }
0x2d: {  	s3 =	simm.s32 $0x108;
	s8 =	sld [smem:$0x3FB4]  }
0x2e: {  	s3 =	simm.s32 @!p0 $0x1082;
	s9 =	sld [smem:$0x3FB5]  }
0x2f: {  	lr =	sadd.s32 s0, s3;
	s0 =	sld [smem:$0x3FAC]  }
0x30: {  	s3 =	sld [smem:$0x3FAF]  }
0x31: {  	[smem:$0x3FB8] =	sst s10  }
0x32: {  	s10 =	sld [smem:$0x3FB6];
	_ =	sdelay $0x3  }
0x33: {  	p0 =	seq.s32 s10, $0x1;
	s10 =	sld [smem:$0x3FB8];
	_ =	sdelay $0x3  }
0x34: {  	[smem:$0x3FB8] =	sst s10  }
0x35: {  	s10 =	sld [smem:$0x3FB7];
	_ =	sdelay $0x3  }
0x36: {  	p1 =	seq.s32 s10, $0x1;
	s10 =	sld [smem:$0x3FB8];
	_ =	sdelay $0x3  }
0x37: {  	[smem:$0x3FB8] =	sst s10  }
0x38: {  	s10 =	sld [smem:$0x3FB9]  }
0x39: {  	_ = 	snop;
	(pc) =	sbr.ind lr, $3  }
0x3a: {  	_ = 	snop  }
0x3b: {  	_ = 	snop  }
0x3c: {  	p2 =	seq.s32 s10, $0x1;
	s10 =	sld [smem:$0x3FB8]  }
0x3d: {  	_ =	shalt  }
0x3e: {  	_ =	shalt  }
0x3f: {  	_ =	shalt  }
0x40: {  	_ =	shalt  }
0x41: {  	_ =	shalt  }
0x42: {  	_ =	shalt  }
0x43: {  	_ =	shalt  }
0x44: {  	_ =	shalt  }
0x45: {  	_ =	shalt  }
0x46: {  	_ =	shalt  }
0x47: {  	_ =	shalt  }
0x48: {  	_ =	shalt  }
0x49: {  	_ =	shalt  }
0x4a: {  	_ =	shalt  }
0x4b: {  	_ =	shalt  }
0x4c: {  	_ =	shalt  }
0x4d: {  	_ =	shalt  }
0x4e: {  	_ =	shalt  }
0x4f: {  	_ =	shalt  }
0x50: {  	_ =	shalt  }
0x51: {  	_ =	shalt  }
0x52: {  	_ =	shalt  }
0x53: {  	_ =	shalt  }
0x54: {  	_ =	shalt  }
0x55: {  	_ =	shalt  }
0x56: {  	_ =	shalt  }
0x57: {  	_ =	shalt  }
0x58: {  	_ =	shalt  }
0x59: {  	_ =	shalt  }
0x5a: {  	_ =	shalt  }
0x5b: {  	_ =	shalt  }
0x5c: {  	_ =	shalt  }
0x5d: {  	_ =	shalt  }
0x5e: {  	_ =	shalt  }
0x5f: {  	_ =	shalt  }
0x60: {  	_ =	shalt  }
0x61: {  	_ =	shalt  }
0x62: {  	_ =	shalt  }
0x63: {  	_ =	shalt  }
0x64: {  	_ =	shalt  }
0x65: {  	_ =	shalt  }
0x66: {  	_ =	shalt  }
0x67: {  	_ =	shalt  }
0x68: {  	_ =	shalt  }
0x69: {  	_ =	shalt  }
0x6a: {  	_ =	shalt  }
0x6b: {  	_ =	shalt  }
0x6c: {  	_ =	shalt  }
0x6d: {  	_ =	shalt  }
0x6e: {  	_ =	shalt  }
0x6f: {  	_ =	shalt  }
0x70: {  	_ =	shalt  }
0x71: {  	_ =	shalt  }
0x72: {  	_ =	shalt  }
0x73: {  	_ =	shalt  }
0x74: {  	_ =	shalt  }
0x75: {  	_ =	shalt  }
0x76: {  	_ =	shalt  }
0x77: {  	_ =	shalt  }
0x78: {  	_ =	shalt  }
0x79: {  	_ =	shalt  }
0x7a: {  	_ =	shalt  }
0x7b: {  	_ =	shalt  }
0x7c: {  	_ =	shalt  }
0x7d: {  	_ =	shalt  }
0x7e: {  	_ =	shalt  }
0x7f: {  	_ =	shalt  }
0x80: {  	_ =	shalt  }
0x81: {  	_ =	shalt  }
0x82: {  	_ =	shalt  }
0x83: {  	_ =	shalt  }
0x84: {  	_ =	shalt  }
0x85: {  	_ =	shalt  }
0x86: {  	_ =	shalt  }
0x87: {  	_ =	shalt  }
.Lfunc_end0:
.L_simem_size_0:
called_computation_lowered:
.L_overlay_start_0:
0x88: {  	s2 =	sld [smem:$0x3FD9]  }
0x89: {  	s3 =	sld [smem:$0x3FFE];
	_ =	sdelay $0x1  }
0x8a: {  	s1 =	srdreg.scid  }
0x8b: {  	s0 =	sand.u32 $0x1, s1  }
0x8c: {  	s17 =	sshll.u32 s0, $0xA;
	s2 =	sadd.s32 s3, s2  }
0x8d: {  	s2 =	sadd.s32 s2, s17  }
0x8e: {  	[smem:$0x3FC4] =	sst s2  }
0x8f: {  	_ = 	snop  }
0x90: {  	s2 =	sld [smem:$0x3FD0];
	(tm) =	ssettm $0x1  }
0x91: {  	s18 =	sld [smem:$0x3FFB];
	_ =	sdelay $0x3  }
0x92: {  	_ =	strace s18  }
0x93: {  	s3 =	sld [smem:$0x3FFC];
	_ =	sdelay $0x3  }
0x94: {  	_ =	strace s3  }
0x95: {  	s3 =	sld [smem:$0x3FFD];
	_ =	sdelay $0x3  }
0x96: {  	_ =	strace s3  }
0x97: {  	_ =	strace $0x8FFFFFFF  }
0x98: {  	s19 =	sld [smem:$0x3FDB];
	_ =	sdelay $0x1  }
0x99: {  	s4 =	simm.s32 $_scs_section_size  }
0x9a: {  	s5 =	simm.s32 $_size__tile_overlayer_lowered;
	s6 =	simm.s32 $_tile_overlayer_lowered  }
0x9b: {  	s22 =	simm.s32 $0x1BFF;
	s21 =	sshll.u32 s6, $0x1;
	s3 =	sadd.s32 s4, s19  }
0x9c: {  	s7 =	simm.s32 $0x0;
	s20 =	sshll.u32 s5, $0x1;
	s5 =	sadd.s32 s21, s3  }
0x9d: {  	[timem:s7], [sflag:s22] =	dma.local [hbm:s5], s20  }
0x9e: {  	_ =	swait.ge [sflag:s22], s20  }
0x9f: {  	s4 =	ssub.s32 $0x0, s20;
	[sflag:s22] =	ssyncset.done $0x0  }
0xa0: {  	[sflag:s22] =	ssyncadd.s32 s4;
	_ =	sdelay $0x1  }
0xa1: {  	s23 =	simm.s32 $0x1B8B  }
0xa2: {  	_ =	swait.ge [sflag:s23], $0x1  }
0xa3: {  	[sflag:s23] =	ssyncset.done $0x0  }
0xa4: {  	s25 =	simm.s32 $0x1B8E;
	s24 =	sld [smem:$0x3FFE];
	[sflag:s23] =	ssyncadd.s32 $0xFFFFFFFF  }
0xa5: {  	s26 =	simm.s32 $execute0_lowered;
	[smem:$0x3FD2] =	sst s25  }
0xa6: {  	s5 =	sshll.u32 s26, $0x1;
	_ =	strace $0x80000046;
	[dreg:$0x1] =	wrdreg $0xFFFFFFFF  }
0xa7: {  	s28 =	simm.s32 $_size_execute0_lowered;
	s3 =	sadd.s32 s3, s5;
	[dreg:$0x0] =	wrdreg $0x0  }
0xa8: {  	s5 =	sshll.u32 s28, $0x1;
	[dreg:$0x2] =	wrdreg s3  }
0xa9: {  	[dreg:$0x3] =	wrdreg s5  }
0xaa: {  	[dreg:$0x4] =	wrdreg $0xC0  }
0xab: {  	_ =	task [dreg:s7], $0x5FFFF  }
0xac: {  	[dreg:$0x1] =	wrdreg $0xFFFFFFFF  }
0xad: {  	[dreg:$0x0] =	wrdreg $0x60  }
0xae: {  	[dreg:$0x2] =	wrdreg s24  }
0xaf: {  	[dreg:$0x3] =	wrdreg s2  }
0xb0: {  	[dreg:$0x4] =	wrdreg $0xB3000  }
0xb1: {  	[dreg:$0x5] =	wrdreg $0x9  }
0xb2: {  	_ =	task.clear_ibuf [dreg:s7], $0x6FFFF;
	_ =	strace $0x90000046  }
0xb3: {  	s29 =	simm.s32 $0x9;
	_ =	strace $0x80000048  }
0xb4: {  	_ =	swait.ge [sflag:s29], $0x1  }
0xb5: {  	[sflag:s29] =	ssyncadd.s32 $0xFFFFFFFF  }
0xb6: {  	_ =	strace $0x90000048  }
0xb7: {  	_ =	sfence  }
0xb8: {  	s30 =	sld [smem:$0x0];
	_ =	sdelay $0x2  }
0xb9: {  	s31 =	sshll.u32 s1, $0xD;
	s1 =	sshrl.u32 s1, $0x2  }
0xba: {  	s3 =	sand.u32 $0x4000, s31;
	s1 =	sadd.s32 s1, s30  }
0xbb: {  	s0 =	sor.u32 s3, s0;
	s1 =	sshll.u32 s1, $0x11  }
0xbc: {  	s0 =	sor.u32 s1, s0  }
0xbd: {  	s0 =	sadd.s32 $0x8F2B, s0  }
0xbe: {  	[sflag:s0] =	ssyncadd.remote.s32 $0x1  }
0xbf: {  	_ =	sfence.sel $0xFFFF  }
0xc0: {  	[dreg:$0x0] =	wrdreg $0xFFFFFFFF;
	(pc) =	sbr.abs _section_cstart, $3  }
0xc1: {  	[dreg:$0x1] =	wrdreg $0xFFFFFFFF  }
0xc2: {  	_ =	task.clear_ibuf [dreg:s7], $0x2FFFF;
	_ =	strace $0x9FFFFFFF  }
0xc3: {  	(tm) =	ssettm $0x7FFFFFFF  }
tec
execute0_lowered:
.L_overlay_start_1:
0x0: {  	(tag) =	ssettag $0x1  }
0x1: {  	s0 =	rddreg [dreg:$0x0]  }
0x2: {  	s2 =	rddreg [dreg:$0x1]  }
0x3: {  	s3 =	rddreg [dreg:$0x2]  }
0x4: {  	s12 =	stileid.u32;
	s1 =	srdreg.scid  }
0x5: {  	s4 =	simm.s32 $0x0;
	s14 =	simm.s32 $0x6;
	s16 =	simm.s32 $0x28  }
0x6: {  	s17 =	simm.s32 $0x9F00;
	s18 =	simm.s32 $0x1;
	s19 =	simm.s32 $0x4F00  }
0x7: {  	s20 =	simm.s32 $0x2;
	s21 =	simm.s32 $0x6300;
	s22 =	simm.s32 $0x3  }
0x8: {  	s23 =	simm.s32 $0x7700;
	s28 =	simm.s32 $0x0;
	s6 =	smul.u32 $0x3E80, s12  }
0x9: {  	s1 =	sand.u32 $0x1, s1;
	s5 =	sshll.u32 s12, $0x1;
	s9 =	smul.u32 $0x7D000, s12  }
0xa: {  	[smem:$0x7FF] =	sst s4;
	s26 =	smul.u32 $0x4E200, s12;
	p0 =	sgt.u32 s12, $0x9  }
0xb: {  	s5 =	sor.u32 s1, s5;
	s8 =	ssub.s32 $0x2, s1;
	s1 =	smul.u32 $0x27100, s1  }
0xc: {  	_ =	strace $0x80000047;
	s12 =	sshll.u32 @!p0 s12, $0x6;
	s5 =	smul.u32 $0x2710, s5  }
0xd: {  	s7 =	sadd.s32 s6, s0;
	s6 =	sadd.s32 $0x3B600, s0;
	s11 =	sshrl.u32 s8, $0x1  }
0xe: {  	s25 =	sshrl.u32 s9, $0x2;
	s30 =	sadd.s32 s26, s2;
	s26 =	simm.s32 $0x5  }
0xf: {  	s24 =	ssub.s32 s8, s11;
	s7 =	sadd.s32 $0x14400, s7;
	s10 =	sshrl.u32 s5, $0x3  }
0x10: {  	[dreg:$0x4] =	wrdreg s7;
	s31 =	smax.u32 s24, $0x1;
	s0 =	sadd.s32 s10, s0  }
0x11: {  	s13 =	sadd.s32 s25, s3;
	[dreg:$0x7] =	wrdreg s31;
	s29 =	sadd.s32 $0xA600, s0  }
0x12: {  	s11 =	sadd.s32 s1, s30;
	s0 =	sadd.s32 $0x800, s0;
	[dreg:$0x5] =	wrdreg s29  }
0x13: {  	s25 =	simm.s32 $0x8B00;
	[dreg:$0x6] =	wrdreg s0;
	s0 =	sor.u32 @!p0 $0x1C06, s12  }
0x14: {  	s13 =	sshrl.u32 @!p0 s13, $0x3;
	s24 =	simm.s32 $0x4;
	[dreg:$0x8] =	wrdreg s0  }
.LBB2_1:
0x15: {  	s0 =	rddreg [dreg:$0x4]  }
0x16: {  	s1 =	rddreg [dreg:$0x8]  }
0x17: {  	[spmem:s13], [sflag:s1] =	dma.local @!p0 [hbm:s0], $0x3E80  }
0x18: {  	s0 =	simm.s32 @!p0 $0x6  }
0x19: {  	_ =	swait.ge @!p0 [sflag:s0], $0x3E80  }
0x1a: {  	[sflag:s0] =	ssyncset.done @!p0 $0x0  }
0x1b: {  	s15 =	rddreg [dreg:$0x5];
	[sflag:s0] =	ssyncadd.s32 @!p0 $0xFFFFC180  }
0x1c: {  	[tilespmem:s4], [sflag:$0x6] =	stream.linear.gather [hbm4b:s15+s4], $0x2710, $0x38;
	[tilespmem:$0x1EB80] =	vst v63  }
0x1d: {  	_ =	swait.ge [sflag:s14], $0x2710  }
0x1e: {  	[sflag:s14] =	ssyncset.done $0x0  }
0x1f: {  	s7 =	simm.s32 $0x2780;
	s1 =	rddreg [dreg:$0x6];
	[sflag:s14] =	ssyncadd.s32 $0xFFFFD8F0  }
0x20: {  	[tilespmem:s7], [sflag:$0x6] =	stream.linear.gather [hbm4b:s1+s4], $0x2710, $0x38;
	[tilespmem:$0x1EB80] =	vst v63  }
0x21: {  	_ =	swait.ge [sflag:s14], $0x2710  }
0x22: {  	[sflag:s14] =	ssyncset.done $0x0  }
0x23: {  	p1 =	por $0x0, $0x0;
	[sflag:s14] =	ssyncadd.s32 $0xFFFFD8F0  }
0x24: {  	s0 =	simm.s32 @p1 $0x1;
	[bflag:$0x0] =	sbarrier.arrive $0xFFFF  }
0x25: {  	_ =	swait.ge @p1 [sflag:s0], $0x1400  }
0x26: {  	s29 =	simm.s32 @p1 $0x28;
	s15 =	simm.s32 @p1 $0x2;
	[sflag:s0] =	ssyncset.done @p1 $0x0  }
0x27: {  	s1 =	simm.s32 @p1 $0x4F00;
	[sflag:s0] =	ssyncadd.s32 @p1 $0xFFFFEC00;
	s0 =	simm.s32 @p1 $0x0  }
0x28: {  	[tilespmem:s1], [sflag:$0x1] =	stream.indirect.gather @p1 [spmem:s3], $0x80, s0, s29, $0xb8;
	[tilespmem:$0x1EB80] =	vst v63  }
0x29: {  	_ =	swait.ge @p1 [sflag:s15], $0x1400  }
0x2a: {  	s0 =	simm.s32 @p1 $0x28;
	[sflag:s15] =	ssyncset.done @p1 $0x0  }
0x2b: {  	s1 =	simm.s32 @p1 $0x6300;
	[sflag:s15] =	ssyncadd.s32 @p1 $0xFFFFEC00;
	s15 =	simm.s32 @p1 $0x3  }
0x2c: {  	[tilespmem:s1], [sflag:$0x2] =	stream.indirect.gather @p1 [spmem:s3], $0x80, s0, s29, $0xb8;
	[tilespmem:$0x1EB80] =	vst v63  }
0x2d: {  	_ =	swait.ge @p1 [sflag:s15], $0x1400  }
0x2e: {  	s0 =	simm.s32 @p1 $0x50;
	[sflag:s15] =	ssyncset.done @p1 $0x0  }
0x2f: {  	s1 =	simm.s32 @p1 $0x7700;
	[sflag:s15] =	ssyncadd.s32 @p1 $0xFFFFEC00;
	s15 =	simm.s32 @p1 $0x4  }
0x30: {  	[tilespmem:s1], [sflag:$0x3] =	stream.indirect.gather @p1 [spmem:s3], $0x80, s0, s29, $0xb8;
	[tilespmem:$0x1EB80] =	vst v63  }
0x31: {  	_ =	swait.ge @p1 [sflag:s15], $0x1400  }
0x32: {  	s0 =	simm.s32 @p1 $0x78;
	[sflag:s15] =	ssyncset.done @p1 $0x0  }
0x33: {  	s1 =	simm.s32 @p1 $0x8B00;
	[sflag:s15] =	ssyncadd.s32 @p1 $0xFFFFEC00;
	s15 =	simm.s32 @p1 $0x5  }
0x34: {  	[tilespmem:s1], [sflag:$0x4] =	stream.indirect.gather @p1 [spmem:s3], $0x80, s0, s29, $0xb8;
	[tilespmem:$0x1EB80] =	vst v63  }
0x35: {  	_ =	swait.ge @p1 [sflag:s15], $0x1400  }
0x36: {  	s0 =	simm.s32 @!p1 $0x4F00;
	[sflag:s15] =	ssyncset.done @p1 $0x0  }
0x37: {  	s1 =	simm.s32 @!p1 $0x0;
	[sflag:s15] =	ssyncadd.s32 @p1 $0xFFFFEC00;
	s15 =	simm.s32 @!p1 $0x28  }
0x38: {  	[tilespmem:s0], [sflag:$0x1] =	stream.indirect.gather @!p1 [spmem:s3], $0x80, s1, s15, $0xb8;
	[tilespmem:$0x1EB80] =	vst v63  }
0x39: {  	s0 =	simm.s32 @!p1 $0x6300  }
0x3a: {  	[tilespmem:s0], [sflag:$0x2] =	stream.indirect.gather @!p1 [spmem:s3], $0x80, s15, s15, $0xb8;
	[tilespmem:$0x1EB80] =	vst v63  }
0x3b: {  	s1 =	simm.s32 @!p1 $0x7700;
	s0 =	simm.s32 @!p1 $0x50  }
0x3c: {  	[tilespmem:s1], [sflag:$0x3] =	stream.indirect.gather @!p1 [spmem:s3], $0x80, s0, s15, $0xb8;
	[tilespmem:$0x1EB80] =	vst v63  }
0x3d: {  	s29 =	simm.s32 @!p1 $0x8B00;
	s1 =	simm.s32 $0xA0;
	s0 =	simm.s32 @!p1 $0x78  }
0x3e: {  	[tilespmem:s29], [sflag:$0x4] =	stream.indirect.gather @!p1 [spmem:s3], $0x80, s0, s15, $0xb8;
	[tilespmem:$0x1EB80] =	vst v63  }
0x3f: {  	s1 =	simm.s32 @!p1 $0xA0  }
0x40: {  	[tilespmem:s17], [sflag:$0x5] =	stream.indirect.gather [spmem:s3], $0x80, s1, s16, $0xb8;
	[tilespmem:$0x1EB80] =	vst v63  }
0x41: {  	_ =	swait.ge [sflag:s18], $0x1400  }
0x42: {  	[sflag:s18] =	ssyncset.done $0x0  }
0x43: {  	s8 =	simm.s32 $0x2780;
	[sflag:s18] =	ssyncadd.s32 $0xFFFFEC00  }
0x44: {  	[tilespmem:s19], [sflag:$0x1] =	stream.indirect.gather.add.f32 [hbm:s6], $0x80, s8, s16, $0xb8;
	[tilespmem:$0x1EB80] =	vst v63  }
0x45: {  	s0 =	simm.s32 @p1 $0x28;
	_ =	swait.ge [sflag:s20], $0x1400  }
0x46: {  	s0 =	simm.s32 @!p1 $0x28;
	[sflag:s20] =	ssyncset.done $0x0  }
0x47: {  	s9 =	sadd.s32 $0x2780, s0;
	[sflag:s20] =	ssyncadd.s32 $0xFFFFEC00  }
0x48: {  	[tilespmem:s21], [sflag:$0x2] =	stream.indirect.gather.add.f32 [hbm:s6], $0x80, s9, s16, $0xb8;
	[tilespmem:$0x1EB80] =	vst v63  }
0x49: {  	s15 =	simm.s32 @p1 $0x50;
	_ =	swait.ge [sflag:s22], $0x1400  }
0x4a: {  	s15 =	simm.s32 @!p1 $0x50;
	[sflag:s22] =	ssyncset.done $0x0  }
0x4b: {  	s29 =	sadd.s32 $0x2780, s15;
	[sflag:s22] =	ssyncadd.s32 $0xFFFFEC00  }
0x4c: {  	[tilespmem:s23], [sflag:$0x3] =	stream.indirect.gather.add.f32 [hbm:s6], $0x80, s29, s16, $0xb8;
	[tilespmem:$0x1EB80] =	vst v63  }
0x4d: {  	s29 =	simm.s32 @p1 $0x78;
	_ =	swait.ge [sflag:s24], $0x1400  }
0x4e: {  	s29 =	simm.s32 @!p1 $0x78;
	[sflag:s24] =	ssyncset.done $0x0  }
0x4f: {  	s30 =	sadd.s32 $0x2780, s29;
	[sflag:s24] =	ssyncadd.s32 $0xFFFFEC00  }
0x50: {  	[tilespmem:s25], [sflag:$0x4] =	stream.indirect.gather.add.f32 [hbm:s6], $0x80, s30, s16, $0xb8;
	[tilespmem:$0x1EB80] =	vst v63  }
0x51: {  	_ =	swait.ge [sflag:s26], $0x1400  }
0x52: {  	[sflag:s26] =	ssyncset.done $0x0  }
0x53: {  	s30 =	sadd.s32 $0x2780, s1;
	[sflag:s26] =	ssyncadd.s32 $0xFFFFEC00  }
0x54: {  	[tilespmem:s17], [sflag:$0x5] =	stream.indirect.gather.add.f32 [hbm:s6], $0x80, s30, s16, $0xb8;
	[tilespmem:$0x1EB80] =	vst v63  }
0x55: {  	_ =	swait.ge [sflag:s18], $0x1400  }
0x56: {  	[sflag:s18] =	ssyncset.done $0x0  }
0x57: {  	[sflag:s18] =	ssyncadd.s32 $0xFFFFEC00  }
0x58: {  	[hbm4b:s11+s4] =	stream.linear.scatter [tilespmem:s19], [sflag:$0x1], $0x1400, $0x38;
	[tilespmem:$0x1EB80] =	vst v63  }
0x59: {  	s0 =	sadd.s32 s5, s0;
	_ =	swait.ge [sflag:s20], $0x1400  }
0x5a: {  	s0 =	sshll.u32 s0, $0x4;
	[sflag:s20] =	ssyncset.done $0x0  }
0x5b: {  	s0 =	sadd.s32 s2, s0;
	[sflag:s20] =	ssyncadd.s32 $0xFFFFEC00  }
0x5c: {  	[hbm4b:s0+s4] =	stream.linear.scatter [tilespmem:s21], [sflag:$0x2], $0x1400, $0x38;
	[tilespmem:$0x1EB80] =	vst v63  }
0x5d: {  	s10 =	sadd.s32 s5, s15;
	_ =	swait.ge [sflag:s22], $0x1400  }
0x5e: {  	s0 =	sshll.u32 s10, $0x4;
	[sflag:s22] =	ssyncset.done $0x0  }
0x5f: {  	s31 =	simm.s32 $0x320;
	s0 =	sadd.s32 s2, s0;
	[sflag:s22] =	ssyncadd.s32 $0xFFFFEC00  }
0x60: {  	[hbm4b:s0+s4] =	stream.linear.scatter [tilespmem:s23], [sflag:$0x3], $0x1400, $0x38;
	[tilespmem:$0x1EB80] =	vst v63  }
0x61: {  	p1 =	por $0x1, $0x1;
	s12 =	sadd.s32 s5, s29;
	_ =	swait.ge [sflag:s24], $0x1400  }
0x62: {  	s15 =	sshll.u32 s12, $0x4;
	s1 =	sadd.s32 s5, s1;
	[sflag:s24] =	ssyncset.done $0x0  }
0x63: {  	s15 =	sadd.s32 s2, s15;
	s1 =	sshll.u32 s1, $0x4;
	[sflag:s24] =	ssyncadd.s32 $0xFFFFEC00  }
0x64: {  	[hbm4b:s15+s4] =	stream.linear.scatter [tilespmem:s25], [sflag:$0x4], $0x1400, $0x38;
	[tilespmem:$0x1EB80] =	vst v63  }
0x65: {  	s29 =	sadd.s32 $0xC80, s11;
	s1 =	sadd.s32 s2, s1;
	_ =	swait.ge [sflag:s26], $0x1400  }
0x66: {  	s30 =	simm.s32 $0x168;
	s0 =	simm.s32 $0x640;
	[sflag:s26] =	ssyncset.done $0x0  }
.LBB2_2:
0x67: {  	s7 =	simm.s32 @p1 $0x1  }
0x68: {  	[sflag:s26] =	ssyncadd.s32 $0xFFFFEC00;
	s15 =	smov.u32 s0;
	s0 =	sadd.s32 $0x320, s0  }
0x69: {  	[hbm4b:s1+s4] =	stream.linear.scatter [tilespmem:s17], [sflag:$0x5], $0x1400, $0x38;
	[tilespmem:$0x1EB80] =	vst v63  }
0x6a: {  	p2 =	sne.s32 s0, $0x9C40;
	_ =	swait.ge @p1 [sflag:s7], $0x1400  }
0x6b: {  	s8 =	simm.s32 @p1 $0x2;
	s1 =	simm.s32 @p1 $0x4F00;
	[sflag:s7] =	ssyncset.done @p1 $0x0  }
0x6c: {  	s9 =	simm.s32 @p1 $0x28;
	[sflag:s7] =	ssyncadd.s32 @p1 $0xFFFFEC00;
	s7 =	sshra.s32 @p1 s31, $0x2  }
0x6d: {  	[tilespmem:s1], [sflag:$0x1] =	stream.indirect.gather @p1 [spmem:s3], $0x80, s7, s9, $0xb8;
	[tilespmem:$0x1EB80] =	vst v63  }
0x6e: {  	s1 =	sadd.s32 @p1 $0x28, s7;
	s10 =	sadd.s32 @p1 $0x50, s7;
	_ =	swait.ge @p1 [sflag:s8], $0x1400  }
0x6f: {  	s7 =	sadd.s32 @p1 $0x78, s7;
	[sflag:s8] =	ssyncset.done @p1 $0x0  }
0x70: {  	s12 =	simm.s32 @p1 $0x3;
	[sflag:s8] =	ssyncadd.s32 @p1 $0xFFFFEC00;
	s8 =	simm.s32 @p1 $0x6300  }
0x71: {  	[tilespmem:s8], [sflag:$0x2] =	stream.indirect.gather @p1 [spmem:s3], $0x80, s1, s9, $0xb8;
	[tilespmem:$0x1EB80] =	vst v63  }
0x72: {  	_ =	swait.ge @p1 [sflag:s12], $0x1400  }
0x73: {  	[sflag:s12] =	ssyncset.done @p1 $0x0  }
0x74: {  	s1 =	simm.s32 @p1 $0x7700;
	s8 =	simm.s32 @p1 $0x4;
	[sflag:s12] =	ssyncadd.s32 @p1 $0xFFFFEC00  }
0x75: {  	[tilespmem:s1], [sflag:$0x3] =	stream.indirect.gather @p1 [spmem:s3], $0x80, s10, s9, $0xb8;
	[tilespmem:$0x1EB80] =	vst v63  }
0x76: {  	_ =	swait.ge @p1 [sflag:s8], $0x1400  }
0x77: {  	[sflag:s8] =	ssyncset.done @p1 $0x0  }
0x78: {  	s1 =	simm.s32 @p1 $0x8B00;
	[sflag:s8] =	ssyncadd.s32 @p1 $0xFFFFEC00;
	s8 =	simm.s32 @p1 $0x5  }
0x79: {  	[tilespmem:s1], [sflag:$0x4] =	stream.indirect.gather @p1 [spmem:s3], $0x80, s7, s9, $0xb8;
	[tilespmem:$0x1EB80] =	vst v63  }
0x7a: {  	_ =	swait.ge @p1 [sflag:s8], $0x1400  }
0x7b: {  	s1 =	simm.s32 @!p1 $0x4F00;
	[sflag:s8] =	ssyncset.done @p1 $0x0  }
0x7c: {  	s7 =	sshra.s32 @!p1 s31, $0x2;
	[sflag:s8] =	ssyncadd.s32 @p1 $0xFFFFEC00;
	s8 =	simm.s32 @!p1 $0x28  }
0x7d: {  	[tilespmem:s1], [sflag:$0x1] =	stream.indirect.gather @!p1 [spmem:s3], $0x80, s7, s8, $0xb8;
	[tilespmem:$0x1EB80] =	vst v63  }
0x7e: {  	s1 =	simm.s32 @!p1 $0x6300  }
0x7f: {  	[tilespmem:s1], [sflag:$0x2] =	stream.indirect.gather @!p1 [spmem:s3], $0x80, s8, s8, $0xb8;
	[tilespmem:$0x1EB80] =	vst v63  }
0x80: {  	s7 =	simm.s32 @!p1 $0x7700;
	s1 =	simm.s32 @!p1 $0x50  }
0x81: {  	[tilespmem:s7], [sflag:$0x3] =	stream.indirect.gather @!p1 [spmem:s3], $0x80, s1, s8, $0xb8;
	[tilespmem:$0x1EB80] =	vst v63  }
0x82: {  	s1 =	simm.s32 @!p1 $0x78;
	s7 =	simm.s32 @!p1 $0x8B00  }
0x83: {  	[tilespmem:s7], [sflag:$0x4] =	stream.indirect.gather @!p1 [spmem:s3], $0x80, s1, s8, $0xb8;
	[tilespmem:$0x1EB80] =	vst v63  }
0x84: {  	s7 =	smov.u32 s30  }
0x85: {  	s7 =	simm.s32 @!p1 $0xA0  }
0x86: {  	[tilespmem:s17], [sflag:$0x5] =	stream.indirect.gather [spmem:s3], $0x80, s7, s16, $0xb8;
	[tilespmem:$0x1EB80] =	vst v63  }
0x87: {  	s1 =	sadd.s32 s5, s7;
	_ =	swait.ge [sflag:s18], $0x1400  }
0x88: {  	s8 =	sshra.s32 s31, $0x2;
	s1 =	sshll.u32 s1, $0x4;
	[sflag:s18] =	ssyncset.done $0x0  }
0x89: {  	s31 =	smov.u32 s15;
	s8 =	sadd.s32 $0x2780, s8;
	[sflag:s18] =	ssyncadd.s32 $0xFFFFEC00  }
0x8a: {  	[tilespmem:s19], [sflag:$0x1] =	stream.indirect.gather.add.f32 [hbm:s6], $0x80, s8, s16, $0xb8;
	[tilespmem:$0x1EB80] =	vst v63  }
0x8b: {  	s8 =	sadd.s32 @p1 $0xFFFFFF88, s30;
	_ =	swait.ge [sflag:s20], $0x1400  }
0x8c: {  	s8 =	simm.s32 @!p1 $0x28;
	[sflag:s20] =	ssyncset.done $0x0  }
0x8d: {  	s9 =	sadd.s32 $0x2780, s8;
	s8 =	sadd.s32 s5, s8;
	[sflag:s20] =	ssyncadd.s32 $0xFFFFEC00  }
0x8e: {  	[tilespmem:s21], [sflag:$0x2] =	stream.indirect.gather.add.f32 [hbm:s6], $0x80, s9, s16, $0xb8;
	[tilespmem:$0x1EB80] =	vst v63  }
0x8f: {  	s9 =	sadd.s32 @p1 $0xFFFFFFB0, s30;
	_ =	swait.ge [sflag:s22], $0x1400  }
0x90: {  	s9 =	simm.s32 @!p1 $0x50;
	[sflag:s22] =	ssyncset.done $0x0  }
0x91: {  	s10 =	sadd.s32 $0x2780, s9;
	s9 =	sadd.s32 s5, s9;
	[sflag:s22] =	ssyncadd.s32 $0xFFFFEC00  }
0x92: {  	[tilespmem:s23], [sflag:$0x3] =	stream.indirect.gather.add.f32 [hbm:s6], $0x80, s10, s16, $0xb8;
	[tilespmem:$0x1EB80] =	vst v63  }
0x93: {  	s9 =	sshll.u32 s9, $0x4;
	s10 =	sadd.s32 @p1 $0xFFFFFFD8, s30;
	_ =	swait.ge [sflag:s24], $0x1400  }
0x94: {  	s10 =	simm.s32 @!p1 $0x78;
	[sflag:s24] =	ssyncset.done $0x0  }
0x95: {  	s12 =	sadd.s32 $0x2780, s10;
	s10 =	sadd.s32 s5, s10;
	[sflag:s24] =	ssyncadd.s32 $0xFFFFEC00  }
0x96: {  	[tilespmem:s25], [sflag:$0x4] =	stream.indirect.gather.add.f32 [hbm:s6], $0x80, s12, s16, $0xb8;
	[tilespmem:$0x1EB80] =	vst v63  }
0x97: {  	s10 =	sshll.u32 s10, $0x4;
	_ =	swait.ge [sflag:s26], $0x1400  }
0x98: {  	[sflag:s26] =	ssyncset.done $0x0  }
0x99: {  	s7 =	sadd.s32 $0x2780, s7;
	[sflag:s26] =	ssyncadd.s32 $0xFFFFEC00  }
0x9a: {  	[tilespmem:s17], [sflag:$0x5] =	stream.indirect.gather.add.f32 [hbm:s6], $0x80, s7, s16, $0xb8;
	[tilespmem:$0x1EB80] =	vst v63  }
0x9b: {  	_ =	swait.ge [sflag:s18], $0x1400  }
0x9c: {  	[sflag:s18] =	ssyncset.done $0x0  }
0x9d: {  	[sflag:s18] =	ssyncadd.s32 $0xFFFFEC00  }
0x9e: {  	[hbm4b:s29+s4] =	stream.linear.scatter [tilespmem:s19], [sflag:$0x1], $0x1400, $0x38;
	[tilespmem:$0x1EB80] =	vst v63  }
0x9f: {  	_ =	swait.ge [sflag:s20], $0x1400  }
0xa0: {  	s7 =	sshll.u32 s8, $0x4;
	[sflag:s20] =	ssyncset.done $0x0  }
0xa1: {  	s7 =	sadd.s32 s2, s7;
	[sflag:s20] =	ssyncadd.s32 $0xFFFFEC00  }
0xa2: {  	[hbm4b:s7+s4] =	stream.linear.scatter [tilespmem:s21], [sflag:$0x2], $0x1400, $0x38;
	[tilespmem:$0x1EB80] =	vst v63  }
0xa3: {  	_ =	swait.ge [sflag:s22], $0x1400  }
0xa4: {  	[sflag:s22] =	ssyncset.done $0x0  }
0xa5: {  	s7 =	sadd.s32 s2, s9;
	[sflag:s22] =	ssyncadd.s32 $0xFFFFEC00  }
0xa6: {  	[hbm4b:s7+s4] =	stream.linear.scatter [tilespmem:s23], [sflag:$0x3], $0x1400, $0x38;
	[tilespmem:$0x1EB80] =	vst v63  }
0xa7: {  	_ =	swait.ge [sflag:s24], $0x1400  }
.Ltmp0:
0xa8: {  	[sflag:s24] =	ssyncset.done $0x0;
	(pc) =	sbr.rel @p2 .LBB2_2-.Ltmp0, $4  }
0xa9: {  	s7 =	sadd.s32 s2, s10;
	[sflag:s24] =	ssyncadd.s32 $0xFFFFEC00  }
0xaa: {  	[hbm4b:s7+s4] =	stream.linear.scatter [tilespmem:s25], [sflag:$0x4], $0x1400, $0x38;
	[tilespmem:$0x1EB80] =	vst v63  }
0xab: {  	s30 =	sadd.s32 $0xC8, s30;
	s29 =	sadd.s32 $0xC80, s29;
	_ =	swait.ge [sflag:s26], $0x1400  }
0xac: {  	s1 =	sadd.s32 s2, s1;
	p1 =	sne.s32 s31, $0x0;
	[sflag:s26] =	ssyncset.done $0x0  }
0xad: {  	s0 =	simm.s32 @p1 $0x1;
	[sflag:s26] =	ssyncadd.s32 $0xFFFFEC00  }
0xae: {  	[hbm4b:s1+s4] =	stream.linear.scatter [tilespmem:s17], [sflag:$0x5], $0x1400, $0x38;
	[tilespmem:$0x1EB80] =	vst v63  }
0xaf: {  	_ =	swait.ge @p1 [sflag:s0], $0x1400  }
0xb0: {  	s7 =	simm.s32 @p1 $0x2;
	s8 =	simm.s32 @p1 $0x28;
	[sflag:s0] =	ssyncset.done @p1 $0x0  }
0xb1: {  	s1 =	simm.s32 @p1 $0x4F00;
	[sflag:s0] =	ssyncadd.s32 @p1 $0xFFFFEC00;
	s0 =	sshra.s32 @p1 s31, $0x2  }
0xb2: {  	[tilespmem:s1], [sflag:$0x1] =	stream.indirect.gather @p1 [spmem:s3], $0x80, s0, s8, $0xb8;
	[tilespmem:$0x1EB80] =	vst v63  }
0xb3: {  	_ =	swait.ge @p1 [sflag:s7], $0x1400  }
0xb4: {  	[sflag:s7] =	ssyncset.done @p1 $0x0  }
0xb5: {  	s1 =	sadd.s32 @p1 $0x28, s0;
	[sflag:s7] =	ssyncadd.s32 @p1 $0xFFFFEC00;
	s7 =	simm.s32 @p1 $0x6300  }
0xb6: {  	[tilespmem:s7], [sflag:$0x2] =	stream.indirect.gather @p1 [spmem:s3], $0x80, s1, s8, $0xb8;
	[tilespmem:$0x1EB80] =	vst v63  }
0xb7: {  	s1 =	simm.s32 @p1 $0x3  }
0xb8: {  	_ =	swait.ge @p1 [sflag:s1], $0x1400  }
0xb9: {  	[sflag:s1] =	ssyncset.done @p1 $0x0  }
0xba: {  	s7 =	sadd.s32 @p1 $0x50, s0;
	[sflag:s1] =	ssyncadd.s32 @p1 $0xFFFFEC00;
	s1 =	simm.s32 @p1 $0x7700  }
0xbb: {  	[tilespmem:s1], [sflag:$0x3] =	stream.indirect.gather @p1 [spmem:s3], $0x80, s7, s8, $0xb8;
	[tilespmem:$0x1EB80] =	vst v63  }
0xbc: {  	s1 =	simm.s32 @p1 $0x4  }
0xbd: {  	_ =	swait.ge @p1 [sflag:s1], $0x1400  }
0xbe: {  	[sflag:s1] =	ssyncset.done @p1 $0x0  }
0xbf: {  	s0 =	sadd.s32 @p1 $0x78, s0;
	[sflag:s1] =	ssyncadd.s32 @p1 $0xFFFFEC00;
	s1 =	simm.s32 @p1 $0x8B00  }
0xc0: {  	[tilespmem:s1], [sflag:$0x4] =	stream.indirect.gather @p1 [spmem:s3], $0x80, s0, s8, $0xb8;
	[tilespmem:$0x1EB80] =	vst v63  }
0xc1: {  	s0 =	simm.s32 @p1 $0x5  }
0xc2: {  	_ =	swait.ge @p1 [sflag:s0], $0x1400  }
0xc3: {  	s7 =	simm.s32 @!p1 $0x28;
	[sflag:s0] =	ssyncset.done @p1 $0x0  }
0xc4: {  	s1 =	simm.s32 @!p1 $0x4F00;
	[sflag:s0] =	ssyncadd.s32 @p1 $0xFFFFEC00;
	s0 =	sshra.s32 @!p1 s31, $0x2  }
0xc5: {  	[tilespmem:s1], [sflag:$0x1] =	stream.indirect.gather @!p1 [spmem:s3], $0x80, s0, s7, $0xb8;
	[tilespmem:$0x1EB80] =	vst v63  }
0xc6: {  	s0 =	simm.s32 @!p1 $0x6300  }
0xc7: {  	[tilespmem:s0], [sflag:$0x2] =	stream.indirect.gather @!p1 [spmem:s3], $0x80, s7, s7, $0xb8;
	[tilespmem:$0x1EB80] =	vst v63  }
0xc8: {  	s1 =	simm.s32 @!p1 $0x7700;
	s0 =	simm.s32 @!p1 $0x50  }
0xc9: {  	[tilespmem:s1], [sflag:$0x3] =	stream.indirect.gather @!p1 [spmem:s3], $0x80, s0, s7, $0xb8;
	[tilespmem:$0x1EB80] =	vst v63  }
0xca: {  	s0 =	simm.s32 @!p1 $0x78;
	s1 =	simm.s32 @!p1 $0x8B00  }
0xcb: {  	[tilespmem:s1], [sflag:$0x4] =	stream.indirect.gather @!p1 [spmem:s3], $0x80, s0, s7, $0xb8;
	[tilespmem:$0x1EB80] =	vst v63  }
0xcc: {  	s0 =	smov.u32 s30  }
0xcd: {  	s0 =	simm.s32 @!p1 $0xA0  }
0xce: {  	[tilespmem:s17], [sflag:$0x5] =	stream.indirect.gather [spmem:s3], $0x80, s0, s16, $0xb8;
	[tilespmem:$0x1EB80] =	vst v63  }
0xcf: {  	_ =	swait.ge [sflag:s18], $0x1400  }
0xd0: {  	s9 =	sshra.s32 s31, $0x2;
	[sflag:s18] =	ssyncset.done $0x0  }
0xd1: {  	s1 =	sadd.s32 $0x2780, s9;
	[sflag:s18] =	ssyncadd.s32 $0xFFFFEC00  }
0xd2: {  	[tilespmem:s19], [sflag:$0x1] =	stream.indirect.gather.add.f32 [hbm:s6], $0x80, s1, s16, $0xb8;
	[tilespmem:$0x1EB80] =	vst v63  }
0xd3: {  	s1 =	sadd.s32 @p1 $0xFFFFFF88, s30;
	_ =	swait.ge [sflag:s20], $0x1400  }
0xd4: {  	s1 =	simm.s32 @!p1 $0x28;
	[sflag:s20] =	ssyncset.done $0x0  }
0xd5: {  	s10 =	sadd.s32 $0x2780, s1;
	[sflag:s20] =	ssyncadd.s32 $0xFFFFEC00  }
0xd6: {  	[tilespmem:s21], [sflag:$0x2] =	stream.indirect.gather.add.f32 [hbm:s6], $0x80, s10, s16, $0xb8;
	[tilespmem:$0x1EB80] =	vst v63  }
0xd7: {  	s7 =	sadd.s32 @p1 $0xFFFFFFB0, s30;
	_ =	swait.ge [sflag:s22], $0x1400  }
0xd8: {  	s7 =	simm.s32 @!p1 $0x50;
	[sflag:s22] =	ssyncset.done $0x0  }
0xd9: {  	s12 =	sadd.s32 $0x2780, s7;
	[sflag:s22] =	ssyncadd.s32 $0xFFFFEC00  }
0xda: {  	[tilespmem:s23], [sflag:$0x3] =	stream.indirect.gather.add.f32 [hbm:s6], $0x80, s12, s16, $0xb8;
	[tilespmem:$0x1EB80] =	vst v63  }
0xdb: {  	s8 =	sadd.s32 @p1 $0xFFFFFFD8, s30;
	_ =	swait.ge [sflag:s24], $0x1400  }
0xdc: {  	s8 =	simm.s32 @!p1 $0x78;
	[sflag:s24] =	ssyncset.done $0x0  }
0xdd: {  	s9 =	sadd.s32 $0x2780, s8;
	[sflag:s24] =	ssyncadd.s32 $0xFFFFEC00  }
0xde: {  	[tilespmem:s25], [sflag:$0x4] =	stream.indirect.gather.add.f32 [hbm:s6], $0x80, s9, s16, $0xb8;
	[tilespmem:$0x1EB80] =	vst v63  }
0xdf: {  	_ =	swait.ge [sflag:s26], $0x1400  }
0xe0: {  	[sflag:s26] =	ssyncset.done $0x0  }
0xe1: {  	s15 =	sadd.s32 $0x2780, s0;
	[sflag:s26] =	ssyncadd.s32 $0xFFFFEC00  }
0xe2: {  	[tilespmem:s17], [sflag:$0x5] =	stream.indirect.gather.add.f32 [hbm:s6], $0x80, s15, s16, $0xb8;
	[tilespmem:$0x1EB80] =	vst v63  }
0xe3: {  	_ =	swait.ge [sflag:s18], $0x1400  }
0xe4: {  	[sflag:s18] =	ssyncset.done $0x0  }
0xe5: {  	[sflag:s18] =	ssyncadd.s32 $0xFFFFEC00  }
0xe6: {  	[hbm4b:s29+s4] =	stream.linear.scatter [tilespmem:s19], [sflag:$0x1], $0x1400, $0x38;
	[tilespmem:$0x1EB80] =	vst v63  }
0xe7: {  	s1 =	sadd.s32 s5, s1;
	_ =	swait.ge [sflag:s20], $0x1400  }
0xe8: {  	s1 =	sshll.u32 s1, $0x4;
	[sflag:s20] =	ssyncset.done $0x0  }
0xe9: {  	s1 =	sadd.s32 s2, s1;
	[sflag:s20] =	ssyncadd.s32 $0xFFFFEC00  }
0xea: {  	[hbm4b:s1+s4] =	stream.linear.scatter [tilespmem:s21], [sflag:$0x2], $0x1400, $0x38;
	[tilespmem:$0x1EB80] =	vst v63  }
0xeb: {  	s29 =	sadd.s32 s5, s7;
	_ =	swait.ge [sflag:s22], $0x1400  }
0xec: {  	s1 =	sshll.u32 s29, $0x4;
	[sflag:s22] =	ssyncset.done $0x0  }
0xed: {  	s1 =	sadd.s32 s2, s1;
	[sflag:s22] =	ssyncadd.s32 $0xFFFFEC00  }
0xee: {  	[hbm4b:s1+s4] =	stream.linear.scatter [tilespmem:s23], [sflag:$0x3], $0x1400, $0x38;
	[tilespmem:$0x1EB80] =	vst v63  }
0xef: {  	s30 =	sadd.s32 s5, s8;
	_ =	swait.ge [sflag:s24], $0x1400  }
0xf0: {  	s1 =	sshll.u32 s30, $0x4;
	[sflag:s24] =	ssyncset.done $0x0  }
0xf1: {  	s1 =	sadd.s32 s2, s1;
	[sflag:s24] =	ssyncadd.s32 $0xFFFFEC00  }
0xf2: {  	[hbm4b:s1+s4] =	stream.linear.scatter [tilespmem:s25], [sflag:$0x4], $0x1400, $0x38;
	[tilespmem:$0x1EB80] =	vst v63  }
0xf3: {  	s0 =	sadd.s32 s5, s0;
	_ =	swait.ge [sflag:s26], $0x1400  }
0xf4: {  	s0 =	sshll.u32 s0, $0x4;
	[sflag:s26] =	ssyncset.done $0x0  }
0xf5: {  	s0 =	sadd.s32 s2, s0;
	[sflag:s26] =	ssyncadd.s32 $0xFFFFEC00  }
0xf6: {  	[hbm4b:s0+s4] =	stream.linear.scatter [tilespmem:s17], [sflag:$0x5], $0x1400, $0x38;
	[tilespmem:$0x1EB80] =	vst v63  }
0xf7: {  	_ =	swait.ge [sflag:s18], $0x1400  }
0xf8: {  	[sflag:s18] =	ssyncset.done $0x0  }
0xf9: {  	[sflag:s18] =	ssyncadd.s32 $0xFFFFEC00  }
0xfa: {  	_ =	swait.ge [sflag:s20], $0x1400  }
0xfb: {  	[sflag:s20] =	ssyncset.done $0x0  }
0xfc: {  	[sflag:s20] =	ssyncadd.s32 $0xFFFFEC00  }
0xfd: {  	_ =	swait.ge [sflag:s22], $0x1400  }
0xfe: {  	[sflag:s22] =	ssyncset.done $0x0  }
0xff: {  	[sflag:s22] =	ssyncadd.s32 $0xFFFFEC00  }
0x100: {  	_ =	swait.ge [sflag:s24], $0x1400  }
0x101: {  	[sflag:s24] =	ssyncset.done $0x0  }
0x102: {  	[sflag:s24] =	ssyncadd.s32 $0xFFFFEC00  }
0x103: {  	_ =	swait.ge [sflag:s26], $0x1400  }
0x104: {  	s28 =	sadd.s32 $0x1, s28;
	s31 =	rddreg [dreg:$0x7]  }
0x105: {  	p1 =	sne.s32 s28, s31  }
.Ltmp1:
0x106: {  	_ = 	snop;
	(pc) =	sbr.rel @p1 .LBB2_1-.Ltmp1, $3  }
0x107: {  	_ =	sdelay $0x1  }
0x108: {  	[sflag:s26] =	ssyncset.done $0x0  }
0x109: {  	[sflag:s26] =	ssyncadd.s32 $0xFFFFEC00  }
0x10a: {  	_ =	sfence.sel $0x180000  }
0x10b: {  	[bflag:$0x0] =	sbarrier.arrive $0xFFFF  }
0x10c: {  	_ =	strace $0x90000047  }
0x10d: {  	s0 =	stileid.u32;
	[bflag:$0x2] =	sbarrier.arrive $0xFFFF  }
0x10e: {  	p0 =	sne.s32 s0, $0x0;
	s0 =	rddreg [dreg:$0x3]  }
0x10f: {  	s0 =	sadd.s32 @!p0 $0x100000, s0  }
0x110: {  	[sflag:s0] =	ssyncadd.tile.s32 @!p0 $0x1;
	_ =	shalt  }
.Lfunc_end2:
_tile_overlayer_lowered:
.L_overlay_start_2:
0x111: {  	(tag) =	ssettag $0x2  }
0x112: {  	s0 =	rddreg [dreg:$0x0];
	s2 =	stileid.u32  }
0x113: {  	s1 =	rddreg [dreg:$0x1];
	p0 =	sne.s32 s2, $0x0  }
0x114: {  	s3 =	rddreg [dreg:$0x2];
	[bflag:$0x3] =	sbarrier.arrive $0xFFFF;
	s2 =	simm.s32 @!p0 $0x1C06  }
0x115: {  	[timem:s3], [sflag:s2] =	dma.local @!p0 [hbm:s0], s1  }
0x116: {  	s0 =	simm.s32 @!p0 $0x6  }
0x117: {  	_ =	swait.ge @!p0 [sflag:s0], s1  }
0x118: {  	s1 =	ssub.s32 @!p0 $0x0, s1;
	[sflag:s0] =	ssyncset.done @!p0 $0x0  }
0x119: {  	[sflag:s0] =	ssyncadd.s32 @!p0 s1  }
0x11a: {  	[bflag:$0x3] =	sbarrier.arrive $0xFFFF  }
0x11b: {  	_ =	shalt  }

</sc_bundles>
